<compile_context>
chip_gen: v7x
topology: tpu7x:2x2x1
jax: 0.10.2.dev20260603
libtpu: 0.0.44.dev20260713+nightly
codegen_flags: <defaults>
</compile_context>

<pallas_src>
import dataclasses
import functools

import jax
import jax.numpy as jnp
from jax import lax
from jax.experimental import pallas as pl
from jax.experimental.pallas import tpu as pltpu
from jax.experimental.pallas import tpu_sc as plsc

F32 = jnp.float32
BF16 = jnp.bfloat16
I32 = jnp.int32

_TILE = 256
_TB = 256
_NW = 32
_LG2TILE = 8


def _sc_compiler_params():
    cp = pltpu.CompilerParams()
    if "needs_layout_passes" in pltpu.CompilerParams.__dataclass_fields__:
        cp = dataclasses.replace(cp, needs_layout_passes=False)
    return cp



def _router_body(x_ref, wr_ref, w0_ref, w1_ref, mrg_ref, te_ref, counts_ref,
                 carry_ref, tri_ref):
    step = pl.program_id(0)

    @pl.when(step == 0)
    def _():
        carry_ref[...] = jnp.zeros_like(carry_ref)
        n2 = tri_ref.shape[0]
        rows = lax.broadcasted_iota(I32, (n2, n2), 0)
        colsq = lax.broadcasted_iota(I32, (n2, n2), 1)
        tri_ref[...] = (rows >= colsq).astype(BF16)

    x = x_ref[...]
    logits = lax.dot_general(x, wr_ref[...], (((1,), (1,)), ((), ())),
                             preferred_element_type=F32)
    m = jnp.max(logits, axis=1, keepdims=True)
    p = jnp.exp(logits - m)
    probs = p / jnp.sum(p, axis=1, keepdims=True)
    ne = probs.shape[1]
    cols = lax.broadcasted_iota(I32, probs.shape, 1)
    w0 = jnp.max(probs, axis=1, keepdims=True)
    i0 = jnp.min(jnp.where(probs == w0, cols, ne), axis=1, keepdims=True)
    probs2 = jnp.where(cols == i0, jnp.float32(-1.0), probs)
    w1 = jnp.max(probs2, axis=1, keepdims=True)
    i1 = jnp.min(jnp.where(probs2 == w1, cols, ne), axis=1, keepdims=True)
    s = w0 + w1 + 1e-9
    w0_ref[...] = jnp.broadcast_to(w0 / s, w0_ref.shape)
    w1_ref[...] = jnp.broadcast_to(w1 / s, w1_ref.shape)

    tb = x.shape[0]
    oh0 = (lax.broadcasted_iota(I32, (tb, ne), 1) == i0).astype(F32)
    oh1 = (lax.broadcasted_iota(I32, (tb, ne), 1) == i1).astype(F32)
    ohs = jnp.concatenate([oh0, oh1], axis=0)
    ohf = ohs.astype(BF16)
    prefix = lax.dot_general(tri_ref[...], ohf, (((1,), (0,)), ((), ())),
                             preferred_element_type=F32)
    carry = carry_ref[...].astype(F32)
    rank = jnp.sum((prefix + carry) * ohs, axis=1, keepdims=True) - 1.0
    rank = rank.astype(I32)
    r0 = rank[:tb]
    r1 = rank[tb:]

    lanes = lax.broadcasted_iota(I32, (tb, 128), 1)
    mrg = jnp.where(
        lanes < 8, jnp.broadcast_to(i0, (tb, 128)),
        jnp.where(lanes < 16, jnp.broadcast_to(i1, (tb, 128)),
                  jnp.where(lanes < 24, jnp.broadcast_to(r0, (tb, 128)),
                            jnp.broadcast_to(r1, (tb, 128)))))
    mrg_ref[...] = mrg

    new_counts = carry_ref[...] + jnp.sum(ohs, axis=0,
                                          keepdims=True).astype(I32)
    carry_ref[...] = new_counts
    counts_ref[...] = new_counts

    sizes = lax.shift_left(
        lax.shift_right_logical(new_counts + (_TILE - 1), _LG2TILE),
        _LG2TILE).astype(F32)
    tri16 = (lax.broadcasted_iota(I32, (ne, ne), 0)
             <= lax.broadcasted_iota(I32, (ne, ne), 1)).astype(F32)
    tcum = lax.dot_general(sizes, tri16, (((1,), (0,)), ((), ())),
                           preferred_element_type=F32)
    nt = te_ref.shape[0]
    tile_starts = lax.broadcasted_iota(I32, (nt, ne), 0) * _TILE
    te = jnp.sum((tile_starts >= jnp.broadcast_to(tcum.astype(I32),
                                                  (nt, ne))).astype(I32),
                 axis=1, keepdims=True)
    te = jnp.minimum(te, ne - 1)
    te_ref[...] = jnp.broadcast_to(te, te_ref.shape)


def _shared_body(x_ref, sg_ref, su_ref, sd_ref, o_ref):
    xb = x_ref[...].astype(BF16)
    g = lax.dot_general(xb, sg_ref[...].astype(BF16),
                        (((1,), (1,)), ((), ())), preferred_element_type=F32)
    u = lax.dot_general(xb, su_ref[...].astype(BF16),
                        (((1,), (1,)), ((), ())), preferred_element_type=F32)
    h = (g * jax.nn.sigmoid(g) * u).astype(BF16)
    ms = sd_ref.shape[2]
    y0 = lax.dot_general(h[:, :ms], sd_ref[0].astype(BF16),
                         (((1,), (1,)), ((), ())), preferred_element_type=F32)
    y1 = lax.dot_general(h[:, ms:], sd_ref[1].astype(BF16),
                         (((1,), (1,)), ((), ())), preferred_element_type=F32)
    o_ref[...] = y0 + y1


def _expert_body(eid_ref, xs_ref, wg_ref, wu_ref, wd_ref, o_ref):
    del eid_ref
    xb = xs_ref[...].astype(BF16)
    g = lax.dot_general(xb, wg_ref[0].astype(BF16),
                        (((1,), (1,)), ((), ())), preferred_element_type=F32)
    u = lax.dot_general(xb, wu_ref[0].astype(BF16),
                        (((1,), (1,)), ((), ())), preferred_element_type=F32)
    h = (g * jax.nn.sigmoid(g) * u).astype(BF16)
    o_ref[...] = lax.dot_general(h, wd_ref[0].astype(BF16),
                                 (((1,), (1,)), ((), ())),
                                 preferred_element_type=F32)


def _combine_body(sh_ref, y0_ref, y1_ref, w0_ref, w1_ref, o_ref):
    o_ref[...] = (sh_ref[...]
                  + w0_ref[:, 0:1] * y0_ref[...]
                  + w1_ref[:, 0:1] * y1_ref[...])



def _dispatch_tokens(flat, mrg, counts, npad):
    t, d = flat.shape
    ne = counts.shape[1]
    ch = t // _NW
    mesh = plsc.VectorSubcoreMesh(core_axis_name="c", subcore_axis_name="s")

    @functools.partial(
        pl.kernel,
        out_type=[
            jax.ShapeDtypeStruct((npad, d), flat.dtype),
            jax.ShapeDtypeStruct((2 * t,), I32),
        ],
        mesh=mesh,
        scratch_types=[
            pltpu.VMEM((ne,), I32),
            pltpu.VMEM((ne,), I32),
            pltpu.VMEM((ch, 128), I32),
            pltpu.VMEM((ch,), I32),
            pltpu.VMEM((ch,), I32),
            pltpu.VMEM((ch, d), flat.dtype),
            pltpu.SemaphoreType.DMA,
            pltpu.SemaphoreType.DMA,
        ],
        compiler_params=_sc_compiler_params(),
    )
    def k(x_hbm, mrg_hbm, cnt_hbm, out_hbm, pos_hbm,
          cnt_v, gb_v, mrg_v, i0_v, i1_v, rows_v, sem, xsem):
        wid = lax.axis_index("c") * 16 + lax.axis_index("s")
        base = wid * ch
        xcp = pltpu.async_copy(x_hbm.at[pl.ds(base, ch)], rows_v, xsem)
        pltpu.sync_copy(cnt_hbm.at[0], cnt_v)
        pltpu.sync_copy(mrg_hbm.at[pl.ds(base, ch)], mrg_v)
        c = cnt_v[...]
        sizes = lax.shift_left(
            lax.shift_right_logical(c + (_TILE - 1), _LG2TILE), _LG2TILE)
        pref = plsc.cumsum(sizes)
        gb_v[...] = pref - sizes
        zero16 = lax.broadcasted_iota(I32, (16,), 0) * 0
        for j in range(ch // 16):
            rowsel = lax.broadcasted_iota(I32, (16,), 0) + (j * 16)
            e0v = plsc.load_gather(mrg_v, [rowsel, zero16])
            e1v = plsc.load_gather(mrg_v, [rowsel, zero16 + 8])
            r0v = plsc.load_gather(mrg_v, [rowsel, zero16 + 16])
            r1v = plsc.load_gather(mrg_v, [rowsel, zero16 + 24])
            i0_v[pl.ds(j * 16, 16)] = plsc.load_gather(gb_v, [e0v]) + r0v
            i1_v[pl.ds(j * 16, 16)] = plsc.load_gather(gb_v, [e1v]) + r1v
        xcp.wait()
        cp0 = pltpu.async_copy(rows_v, out_hbm.at[i0_v], sem)
        cp1 = pltpu.async_copy(rows_v, out_hbm.at[i1_v], sem)
        pltpu.sync_copy(i0_v, pos_hbm.at[pl.ds(base, ch)])
        pltpu.sync_copy(i1_v, pos_hbm.at[pl.ds(t + base, ch)])
        cp0.wait()
        cp1.wait()

    return k(flat, mrg, counts)


def _gather_rows(ys, pcat):
    n = pcat.shape[0]
    d = ys.shape[1]
    per_w = n // _NW
    ch = min(per_w, 64)
    nch = per_w // ch
    mesh = plsc.VectorSubcoreMesh(core_axis_name="c", subcore_axis_name="s")

    @functools.partial(
        pl.kernel,
        out_type=jax.ShapeDtypeStruct((n, d), ys.dtype),
        mesh=mesh,
        scratch_types=[
            pltpu.VMEM((ch,), I32),
            pltpu.VMEM((ch, d), ys.dtype),
            pltpu.SemaphoreType.DMA,
        ],
    )
    def k(ys_hbm, idx_hbm, out_hbm, idx_v, rows_v, sem):
        wid = lax.axis_index("c") * 16 + lax.axis_index("s")
        for c in range(nch):
            base = wid * per_w + c * ch
            pltpu.sync_copy(idx_hbm.at[pl.ds(base, ch)], idx_v)
            pltpu.async_copy(ys_hbm.at[idx_v], rows_v, sem).wait()
            pltpu.sync_copy(rows_v, out_hbm.at[pl.ds(base, ch)])

    return k(ys, pcat)



def kernel(x, Wr, Wg, Wu, Wd, Sg, Su, Sd):
    orig = x.shape
    d = orig[-1]
    flat = x.reshape(-1, d)
    t = flat.shape[0]
    e, m, _ = Wg.shape
    ns, ms, _ = Sg.shape
    ntb = t // _TB
    nt = (t * 2) // _TILE + e
    npad = nt * _TILE

    w0b, w1b, mrg, teb, countsb = pl.pallas_call(
        _router_body,
        grid=(ntb,),
        in_specs=[
            pl.BlockSpec((_TB, d), lambda i: (i, 0)),
            pl.BlockSpec((e, d), lambda i: (0, 0)),
        ],
        out_specs=[
            pl.BlockSpec((_TB, 8), lambda i: (i, 0)),
            pl.BlockSpec((_TB, 8), lambda i: (i, 0)),
            pl.BlockSpec((_TB, 128), lambda i: (i, 0)),
            pl.BlockSpec((nt, 8), lambda i: (0, 0)),
            pl.BlockSpec((1, e), lambda i: (0, 0)),
        ],
        out_shape=[
            jax.ShapeDtypeStruct((t, 8), F32),
            jax.ShapeDtypeStruct((t, 8), F32),
            jax.ShapeDtypeStruct((t, 128), I32),
            jax.ShapeDtypeStruct((nt, 8), I32),
            jax.ShapeDtypeStruct((1, e), I32),
        ],
        scratch_shapes=[pltpu.VMEM((1, e), I32),
                        pltpu.VMEM((2 * _TB, 2 * _TB), BF16)],
        compiler_params=pltpu.CompilerParams(
            dimension_semantics=("arbitrary",)),
    )(flat, Wr)

    sgc = Sg.reshape(ns * ms, d)
    suc = Su.reshape(ns * ms, d)

    def _shared_half(h):
        return pl.pallas_call(
            _shared_body,
            grid=(1,),
            in_specs=[
                pl.BlockSpec((t // 2, d), lambda i, h=h: (h, 0)),
                pl.BlockSpec((ns * ms, d), lambda i: (0, 0)),
                pl.BlockSpec((ns * ms, d), lambda i: (0, 0)),
                pl.BlockSpec((ns, d, ms), lambda i: (0, 0, 0)),
            ],
            out_specs=pl.BlockSpec((t // 2, d), lambda i: (0, 0)),
            out_shape=jax.ShapeDtypeStruct((t // 2, d), F32),
            compiler_params=pltpu.CompilerParams(
                dimension_semantics=("arbitrary",)),
        )(flat, sgc, suc, Sd)

    shared0 = _shared_half(0)
    shared1 = _shared_half(1)

    xs, pos = _dispatch_tokens(flat, mrg, countsb, npad)

    ys = pl.pallas_call(
        _expert_body,
        grid_spec=pltpu.PrefetchScalarGridSpec(
            num_scalar_prefetch=1,
            grid=(nt,),
            in_specs=[
                pl.BlockSpec((_TILE, d), lambda j, eid: (j, 0)),
                pl.BlockSpec((1, m, d), lambda j, eid: (eid[j, 0], 0, 0)),
                pl.BlockSpec((1, m, d), lambda j, eid: (eid[j, 0], 0, 0)),
                pl.BlockSpec((1, d, m), lambda j, eid: (eid[j, 0], 0, 0)),
            ],
            out_specs=pl.BlockSpec((_TILE, d), lambda j, eid: (j, 0)),
        ),
        out_shape=jax.ShapeDtypeStruct((npad, d), F32),
        compiler_params=pltpu.CompilerParams(
            dimension_semantics=("arbitrary",)),
    )(teb, xs, Wg, Wu, Wd)

    yg = _gather_rows(ys, pos)

    hb = (t // 2) // _TB

    def _combine_half(h, sh):
        return pl.pallas_call(
            _combine_body,
            grid=(hb,),
            in_specs=[
                pl.BlockSpec((_TB, d), lambda i: (i, 0)),
                pl.BlockSpec((_TB, d), lambda i, h=h: (h * hb + i, 0)),
                pl.BlockSpec((_TB, d),
                             lambda i, h=h: (2 * hb + h * hb + i, 0)),
                pl.BlockSpec((_TB, 8), lambda i, h=h: (h * hb + i, 0)),
                pl.BlockSpec((_TB, 8), lambda i, h=h: (h * hb + i, 0)),
            ],
            out_specs=pl.BlockSpec((_TB, d), lambda i: (i, 0)),
            out_shape=jax.ShapeDtypeStruct((t // 2, d), F32),
            compiler_params=pltpu.CompilerParams(
                dimension_semantics=("arbitrary",)),
        )(sh, yg, yg, w0b, w1b)

    out0 = _combine_half(0, shared0)
    out1 = _combine_half(1, shared1)
    return jnp.concatenate([out0, out1]).reshape(orig)

# --- scband reference (transcript-rebuilt; emitter-appended) ---
"""Pipeline reference for scband-deep-seek-mo-e-69011534512397 (READ-ONLY COPY).

The authoritative reference and input builder live on the scoring server;
editing this copy changes nothing except your own understanding.
"""

import jax, jax.numpy as jnp
import numpy as np


def _silu(v):
    return v * jax.nn.sigmoid(v)


def setup_inputs(seed: int = 0) -> dict:
    key = jax.random.key(seed)
    ks = jax.random.split(key, 8)
    B, T, D = 1, 2048, 1024
    E, M = 16, 256          # n_routed, routed mid = max(4, 1024//4)
    NS, MS = 2, 512         # n_shared, shared mid = max(4, 1024//2)
    x = jax.random.normal(ks[0], (B, T, D), dtype=jnp.float32)
    Wr = jax.random.normal(ks[1], (E, D), dtype=jnp.float32) * (D ** -0.5)
    Wg = jax.random.normal(ks[2], (E, M, D), dtype=jnp.float32) * (D ** -0.5)
    Wu = jax.random.normal(ks[3], (E, M, D), dtype=jnp.float32) * (D ** -0.5)
    Wd = jax.random.normal(ks[4], (E, D, M), dtype=jnp.float32) * (M ** -0.5)
    Sg = jax.random.normal(ks[5], (NS, MS, D), dtype=jnp.float32) * (D ** -0.5)
    Su = jax.random.normal(ks[6], (NS, MS, D), dtype=jnp.float32) * (D ** -0.5)
    Sd = jax.random.normal(ks[7], (NS, D, MS), dtype=jnp.float32) * (MS ** -0.5)
    return {"x": x, "Wr": Wr, "Wg": Wg, "Wu": Wu, "Wd": Wd, "Sg": Sg, "Su": Su, "Sd": Sd}


def reference(x, Wr, Wg, Wu, Wd, Sg, Su, Sd):
    top_k = 2
    orig = x.shape
    flat = x.reshape(-1, orig[-1])
    T = flat.shape[0]
    # shared expert group (sum of always-active SwiGLU experts)
    sg = jnp.einsum('td,nmd->ntm', flat, Sg)
    su = jnp.einsum('td,nmd->ntm', flat, Su)
    shared = jnp.einsum('ntm,ndm->td', _silu(sg) * su, Sd)
    # TopK router (eval mode: jitter disabled)
    logits = (flat @ Wr.T).astype(jnp.float32)
    probs = jax.nn.softmax(logits, axis=-1)
    weights, indices = jax.lax.top_k(probs, top_k)
    weights = weights / (weights.sum(axis=-1, keepdims=True) + 1e-9)
    weights = weights.astype(x.dtype)
    # routed experts: compute every expert output, then gather per-token top-k
    # (mathematically identical to the torch masked dispatch)
    g = jnp.einsum('td,emd->etm', flat, Wg)
    u = jnp.einsum('td,emd->etm', flat, Wu)
    ye = jnp.einsum('etm,edm->etd', _silu(g) * u, Wd)  # [E, T, D]
    out = shared
    rows = jnp.arange(T)
    for k in range(top_k):
        idx_k = indices[:, k]
        contrib = ye[idx_k, rows]  # [T, D] gather of selected expert output
        out = out + weights[:, k:k + 1] * contrib
    return out.reshape(orig)

if __name__ == "__main__":
    import jax
    _d = setup_inputs()
    print(jax.jit(kernel)(*tuple(_d.values())))

</pallas_src>

<mosaic_0001>
#map = affine_map<(d0, d1) -> (0, 0)>
#map1 = affine_map<(d0, d1) -> (0)>
module attributes {stable_mosaic.version = 14 : i64} {
  func.func @k(%arg0: i32, %arg1: i32, %arg2: memref<8192x1024xf32, #tpu.memory_space<hbm>>, %arg3: memref<4096xi32, #tpu.memory_space<hbm>>, %arg4: memref<4096x1024xf32, #tpu.memory_space<hbm>>, %arg5: memref<64xi32, #tpu.memory_space<vmem>>, %arg6: memref<64x1024xf32, #tpu.memory_space<vmem>>, %arg7: memref<!tpu.dma_semaphore, #tpu.memory_space<semaphore_mem>>) attributes {dimension_semantics = [#tpu.dimension_semantics<core_parallel>, #tpu.dimension_semantics<subcore_parallel>], iteration_bounds = array<i64: 2, 16>, scalar_prefetch = 0 : i64, scratch_operands = 3 : i64, tpu.core_type = #tpu.core_type<sc_vector_subcore>, window_params = [{transform_indices = #map}, {transform_indices = #map1}, {transform_indices = #map}]} {
    %mul3A = arith.constant 16 : i32
    %mul3A_0 = arith.muli %arg0, %mul3A : i32
    %add3A = arith.addi %mul3A_0, %arg1 : i32
    %mul3A_1 = arith.constant 128 : i32
    %mul3A_2 = arith.muli %add3A, %mul3A_1 : i32
    %add3A_3 = arith.constant 0 : i32
    %add3A_4 = arith.addi %mul3A_2, %add3A_3 : i32
    "tpu.region"() ({
      %run_scoped3A = tpu.sem_alloc : memref<!tpu.dma_semaphore, #tpu.memory_space<semaphore_mem>>
      %dma_start3A_19 = tpu.memref_slice %arg3[%add3A_4] : memref<4096xi32, #tpu.memory_space<hbm>> -> memref<64xi32, #tpu.memory_space<hbm>>
      %dma_start3A_20 = tpu.memref_slice %arg3[%add3A_4] : memref<4096xi32, #tpu.memory_space<hbm>> -> memref<64xi32, #tpu.memory_space<hbm>>
      tpu.enqueue_dma source(%dma_start3A_20 : memref<64xi32, #tpu.memory_space<hbm>>) target(%arg5 : memref<64xi32, #tpu.memory_space<vmem>>) target_semaphore(%run_scoped3A : memref<!tpu.dma_semaphore, #tpu.memory_space<semaphore_mem>>)
      %dma_wait3A_21 = tpu.memref_slice %arg3[%add3A_4] : memref<4096xi32, #tpu.memory_space<hbm>> -> memref<64xi32, #tpu.memory_space<hbm>>
      %dma_wait3A_22 = tpu.memref_slice %arg3[%add3A_4] : memref<4096xi32, #tpu.memory_space<hbm>> -> memref<64xi32, #tpu.memory_space<hbm>>
      tpu.wait_dma2 semaphore(%run_scoped3A : memref<!tpu.dma_semaphore, #tpu.memory_space<semaphore_mem>>) src(%dma_wait3A_22 : memref<64xi32, #tpu.memory_space<hbm>>) dst(%arg5 : memref<64xi32, #tpu.memory_space<vmem>>)
      tpu.yield
    }) : () -> ()
    %dma_start3A = arith.constant 0 : i32
    %dma_start3A_5 = arith.constant 0 : i32
    %dma_start3A_6 = tpu.memref_slice %arg2[%dma_start3A, %dma_start3A_5] : memref<8192x1024xf32, #tpu.memory_space<hbm>> -> memref<8192x1024xf32, #tpu.memory_space<hbm>>
    tpu.enqueue_indirect_dma source(%dma_start3A_6 : memref<8192x1024xf32, #tpu.memory_space<hbm>>) target(%arg6 : memref<64x1024xf32, #tpu.memory_space<vmem>>) offsets(%arg5 : memref<64xi32, #tpu.memory_space<vmem>>) semaphore(%arg7 : memref<!tpu.dma_semaphore, #tpu.memory_space<semaphore_mem>>)
    %dma_wait3A = arith.constant 0 : i32
    %dma_wait3A_7 = arith.constant 0 : i32
    %dma_wait3A_8 = tpu.memref_slice %arg2[%dma_wait3A, %dma_wait3A_7] : memref<8192x1024xf32, #tpu.memory_space<hbm>> -> memref<8192x1024xf32, #tpu.memory_space<hbm>>
    tpu.wait_indirect_dma semaphore(%arg7 : memref<!tpu.dma_semaphore, #tpu.memory_space<semaphore_mem>>) src(%dma_wait3A_8 : memref<8192x1024xf32, #tpu.memory_space<hbm>>) dst(%arg6 : memref<64x1024xf32, #tpu.memory_space<vmem>>)
    "tpu.region"() ({
      %run_scoped3A = tpu.sem_alloc : memref<!tpu.dma_semaphore, #tpu.memory_space<semaphore_mem>>
      %dma_start3A_19 = arith.constant 0 : i32
      %dma_start3A_20 = tpu.memref_slice %arg4[%add3A_4, %dma_start3A_19] : memref<4096x1024xf32, #tpu.memory_space<hbm>> -> memref<64x1024xf32, #tpu.memory_space<hbm>>
      %dma_start3A_21 = arith.constant 0 : i32
      %dma_start3A_22 = tpu.memref_slice %arg4[%add3A_4, %dma_start3A_21] : memref<4096x1024xf32, #tpu.memory_space<hbm>> -> memref<64x1024xf32, #tpu.memory_space<hbm>>
      tpu.enqueue_dma source(%arg6 : memref<64x1024xf32, #tpu.memory_space<vmem>>) target(%dma_start3A_22 : memref<64x1024xf32, #tpu.memory_space<hbm>>) target_semaphore(%run_scoped3A : memref<!tpu.dma_semaphore, #tpu.memory_space<semaphore_mem>>)
      %dma_wait3A_23 = arith.constant 0 : i32
      %dma_wait3A_24 = tpu.memref_slice %arg4[%add3A_4, %dma_wait3A_23] : memref<4096x1024xf32, #tpu.memory_space<hbm>> -> memref<64x1024xf32, #tpu.memory_space<hbm>>
      %dma_wait3A_25 = arith.constant 0 : i32
      %dma_wait3A_26 = tpu.memref_slice %arg4[%add3A_4, %dma_wait3A_25] : memref<4096x1024xf32, #tpu.memory_space<hbm>> -> memref<64x1024xf32, #tpu.memory_space<hbm>>
      tpu.wait_dma2 semaphore(%run_scoped3A : memref<!tpu.dma_semaphore, #tpu.memory_space<semaphore_mem>>) src(%arg6 : memref<64x1024xf32, #tpu.memory_space<vmem>>) dst(%dma_wait3A_26 : memref<64x1024xf32, #tpu.memory_space<hbm>>)
      tpu.yield
    }) : () -> ()
    %mul3A_9 = arith.constant 128 : i32
    %mul3A_10 = arith.muli %add3A, %mul3A_9 : i32
    %add3A_11 = arith.constant 64 : i32
    %add3A_12 = arith.addi %mul3A_10, %add3A_11 : i32
    "tpu.region"() ({
      %run_scoped3A = tpu.sem_alloc : memref<!tpu.dma_semaphore, #tpu.memory_space<semaphore_mem>>
      %dma_start3A_19 = tpu.memref_slice %arg3[%add3A_12] : memref<4096xi32, #tpu.memory_space<hbm>> -> memref<64xi32, #tpu.memory_space<hbm>>
      %dma_start3A_20 = tpu.memref_slice %arg3[%add3A_12] : memref<4096xi32, #tpu.memory_space<hbm>> -> memref<64xi32, #tpu.memory_space<hbm>>
      tpu.enqueue_dma source(%dma_start3A_20 : memref<64xi32, #tpu.memory_space<hbm>>) target(%arg5 : memref<64xi32, #tpu.memory_space<vmem>>) target_semaphore(%run_scoped3A : memref<!tpu.dma_semaphore, #tpu.memory_space<semaphore_mem>>)
      %dma_wait3A_21 = tpu.memref_slice %arg3[%add3A_12] : memref<4096xi32, #tpu.memory_space<hbm>> -> memref<64xi32, #tpu.memory_space<hbm>>
      %dma_wait3A_22 = tpu.memref_slice %arg3[%add3A_12] : memref<4096xi32, #tpu.memory_space<hbm>> -> memref<64xi32, #tpu.memory_space<hbm>>
      tpu.wait_dma2 semaphore(%run_scoped3A : memref<!tpu.dma_semaphore, #tpu.memory_space<semaphore_mem>>) src(%dma_wait3A_22 : memref<64xi32, #tpu.memory_space<hbm>>) dst(%arg5 : memref<64xi32, #tpu.memory_space<vmem>>)
      tpu.yield
    }) : () -> ()
    %dma_start3A_13 = arith.constant 0 : i32
    %dma_start3A_14 = arith.constant 0 : i32
    %dma_start3A_15 = tpu.memref_slice %arg2[%dma_start3A_13, %dma_start3A_14] : memref<8192x1024xf32, #tpu.memory_space<hbm>> -> memref<8192x1024xf32, #tpu.memory_space<hbm>>
    tpu.enqueue_indirect_dma source(%dma_start3A_15 : memref<8192x1024xf32, #tpu.memory_space<hbm>>) target(%arg6 : memref<64x1024xf32, #tpu.memory_space<vmem>>) offsets(%arg5 : memref<64xi32, #tpu.memory_space<vmem>>) semaphore(%arg7 : memref<!tpu.dma_semaphore, #tpu.memory_space<semaphore_mem>>)
    %dma_wait3A_16 = arith.constant 0 : i32
    %dma_wait3A_17 = arith.constant 0 : i32
    %dma_wait3A_18 = tpu.memref_slice %arg2[%dma_wait3A_16, %dma_wait3A_17] : memref<8192x1024xf32, #tpu.memory_space<hbm>> -> memref<8192x1024xf32, #tpu.memory_space<hbm>>
    tpu.wait_indirect_dma semaphore(%arg7 : memref<!tpu.dma_semaphore, #tpu.memory_space<semaphore_mem>>) src(%dma_wait3A_18 : memref<8192x1024xf32, #tpu.memory_space<hbm>>) dst(%arg6 : memref<64x1024xf32, #tpu.memory_space<vmem>>)
    "tpu.region"() ({
      %run_scoped3A = tpu.sem_alloc : memref<!tpu.dma_semaphore, #tpu.memory_space<semaphore_mem>>
      %dma_start3A_19 = arith.constant 0 : i32
      %dma_start3A_20 = tpu.memref_slice %arg4[%add3A_12, %dma_start3A_19] : memref<4096x1024xf32, #tpu.memory_space<hbm>> -> memref<64x1024xf32, #tpu.memory_space<hbm>>
      %dma_start3A_21 = arith.constant 0 : i32
      %dma_start3A_22 = tpu.memref_slice %arg4[%add3A_12, %dma_start3A_21] : memref<4096x1024xf32, #tpu.memory_space<hbm>> -> memref<64x1024xf32, #tpu.memory_space<hbm>>
      tpu.enqueue_dma source(%arg6 : memref<64x1024xf32, #tpu.memory_space<vmem>>) target(%dma_start3A_22 : memref<64x1024xf32, #tpu.memory_space<hbm>>) target_semaphore(%run_scoped3A : memref<!tpu.dma_semaphore, #tpu.memory_space<semaphore_mem>>)
      %dma_wait3A_23 = arith.constant 0 : i32
      %dma_wait3A_24 = tpu.memref_slice %arg4[%add3A_12, %dma_wait3A_23] : memref<4096x1024xf32, #tpu.memory_space<hbm>> -> memref<64x1024xf32, #tpu.memory_space<hbm>>
      %dma_wait3A_25 = arith.constant 0 : i32
      %dma_wait3A_26 = tpu.memref_slice %arg4[%add3A_12, %dma_wait3A_25] : memref<4096x1024xf32, #tpu.memory_space<hbm>> -> memref<64x1024xf32, #tpu.memory_space<hbm>>
      tpu.wait_dma2 semaphore(%run_scoped3A : memref<!tpu.dma_semaphore, #tpu.memory_space<semaphore_mem>>) src(%arg6 : memref<64x1024xf32, #tpu.memory_space<vmem>>) dst(%dma_wait3A_26 : memref<64x1024xf32, #tpu.memory_space<hbm>>)
      tpu.yield
    }) : () -> ()
    return
  }
}

#map = affine_map<(d0, d1) -> (0, 0)>
#map1 = affine_map<(d0, d1) -> (0)>
module attributes {stable_mosaic.version = 14 : i64} {
  func.func @k(%arg0: i32, %arg1: i32, %arg2: memref<2048x1024xf32, #tpu.memory_space<hbm>>, %arg3: memref<2048x128xi32, #tpu.memory_space<hbm>>, %arg4: memref<1x16xi32, #tpu.memory_space<hbm>>, %arg5: memref<8192x1024xf32, #tpu.memory_space<hbm>>, %arg6: memref<4096xi32, #tpu.memory_space<hbm>>, %arg7: memref<16xi32, #tpu.memory_space<vmem>>, %arg8: memref<16xi32, #tpu.memory_space<vmem>>, %arg9: memref<64x128xi32, #tpu.memory_space<vmem>>, %arg10: memref<64xi32, #tpu.memory_space<vmem>>, %arg11: memref<64xi32, #tpu.memory_space<vmem>>, %arg12: memref<64x1024xf32, #tpu.memory_space<vmem>>, %arg13: memref<!tpu.dma_semaphore, #tpu.memory_space<semaphore_mem>>, %arg14: memref<!tpu.dma_semaphore, #tpu.memory_space<semaphore_mem>>) attributes {dimension_semantics = [#tpu.dimension_semantics<core_parallel>, #tpu.dimension_semantics<subcore_parallel>], iteration_bounds = array<i64: 2, 16>, scalar_prefetch = 0 : i64, scratch_operands = 8 : i64, tpu.core_type = #tpu.core_type<sc_vector_subcore>, window_params = [{transform_indices = #map}, {transform_indices = #map}, {transform_indices = #map}, {transform_indices = #map}, {transform_indices = #map1}]} {
    %mul3A = arith.constant 16 : i32
    %mul3A_0 = arith.muli %arg0, %mul3A : i32
    %add3A = arith.addi %mul3A_0, %arg1 : i32
    %mul3A_1 = arith.constant 64 : i32
    %mul3A_2 = arith.muli %add3A, %mul3A_1 : i32
    %dma_start3A = arith.constant 0 : i32
    %dma_start3A_3 = tpu.memref_slice %arg2[%mul3A_2, %dma_start3A] : memref<2048x1024xf32, #tpu.memory_space<hbm>> -> memref<64x1024xf32, #tpu.memory_space<hbm>>
    %dma_start3A_4 = arith.constant 0 : i32
    %dma_start3A_5 = tpu.memref_slice %arg2[%mul3A_2, %dma_start3A_4] : memref<2048x1024xf32, #tpu.memory_space<hbm>> -> memref<64x1024xf32, #tpu.memory_space<hbm>>
    tpu.enqueue_dma source(%dma_start3A_5 : memref<64x1024xf32, #tpu.memory_space<hbm>>) target(%arg12 : memref<64x1024xf32, #tpu.memory_space<vmem>>) target_semaphore(%arg14 : memref<!tpu.dma_semaphore, #tpu.memory_space<semaphore_mem>>)
    %run_scoped3A = arith.constant 0 : i32
    "tpu.region"() ({
      %run_scoped3A_135 = tpu.sem_alloc : memref<!tpu.dma_semaphore, #tpu.memory_space<semaphore_mem>>
      %dma_start3A_136 = arith.constant 0 : i32
      %dma_start3A_137 = tpu.memref_slice %arg4[%run_scoped3A, %dma_start3A_136] : memref<1x16xi32, #tpu.memory_space<hbm>> -> memref<1x16xi32, #tpu.memory_space<hbm>>
      %dma_start3A_138 = tpu.memref_squeeze %dma_start3A_137 : memref<1x16xi32, #tpu.memory_space<hbm>> -> memref<16xi32, #tpu.memory_space<hbm>>
      %dma_start3A_139 = arith.constant 0 : i32
      %dma_start3A_140 = tpu.memref_slice %arg4[%run_scoped3A, %dma_start3A_139] : memref<1x16xi32, #tpu.memory_space<hbm>> -> memref<1x16xi32, #tpu.memory_space<hbm>>
      %dma_start3A_141 = tpu.memref_squeeze %dma_start3A_140 : memref<1x16xi32, #tpu.memory_space<hbm>> -> memref<16xi32, #tpu.memory_space<hbm>>
      tpu.enqueue_dma source(%dma_start3A_141 : memref<16xi32, #tpu.memory_space<hbm>>) target(%arg7 : memref<16xi32, #tpu.memory_space<vmem>>) target_semaphore(%run_scoped3A_135 : memref<!tpu.dma_semaphore, #tpu.memory_space<semaphore_mem>>)
      %dma_wait3A_142 = arith.constant 0 : i32
      %dma_wait3A_143 = tpu.memref_slice %arg4[%run_scoped3A, %dma_wait3A_142] : memref<1x16xi32, #tpu.memory_space<hbm>> -> memref<1x16xi32, #tpu.memory_space<hbm>>
      %dma_wait3A_144 = tpu.memref_squeeze %dma_wait3A_143 : memref<1x16xi32, #tpu.memory_space<hbm>> -> memref<16xi32, #tpu.memory_space<hbm>>
      %dma_wait3A_145 = arith.constant 0 : i32
      %dma_wait3A_146 = tpu.memref_slice %arg4[%run_scoped3A, %dma_wait3A_145] : memref<1x16xi32, #tpu.memory_space<hbm>> -> memref<1x16xi32, #tpu.memory_space<hbm>>
      %dma_wait3A_147 = tpu.memref_squeeze %dma_wait3A_146 : memref<1x16xi32, #tpu.memory_space<hbm>> -> memref<16xi32, #tpu.memory_space<hbm>>
      tpu.wait_dma2 semaphore(%run_scoped3A_135 : memref<!tpu.dma_semaphore, #tpu.memory_space<semaphore_mem>>) src(%dma_wait3A_147 : memref<16xi32, #tpu.memory_space<hbm>>) dst(%arg7 : memref<16xi32, #tpu.memory_space<vmem>>)
      tpu.yield
    }) : () -> ()
    "tpu.region"() ({
      %run_scoped3A_135 = tpu.sem_alloc : memref<!tpu.dma_semaphore, #tpu.memory_space<semaphore_mem>>
      %dma_start3A_136 = arith.constant 0 : i32
      %dma_start3A_137 = tpu.memref_slice %arg3[%mul3A_2, %dma_start3A_136] : memref<2048x128xi32, #tpu.memory_space<hbm>> -> memref<64x128xi32, #tpu.memory_space<hbm>>
      %dma_start3A_138 = arith.constant 0 : i32
      %dma_start3A_139 = tpu.memref_slice %arg3[%mul3A_2, %dma_start3A_138] : memref<2048x128xi32, #tpu.memory_space<hbm>> -> memref<64x128xi32, #tpu.memory_space<hbm>>
      tpu.enqueue_dma source(%dma_start3A_139 : memref<64x128xi32, #tpu.memory_space<hbm>>) target(%arg9 : memref<64x128xi32, #tpu.memory_space<vmem>>) target_semaphore(%run_scoped3A_135 : memref<!tpu.dma_semaphore, #tpu.memory_space<semaphore_mem>>)
      %dma_wait3A_140 = arith.constant 0 : i32
      %dma_wait3A_141 = tpu.memref_slice %arg3[%mul3A_2, %dma_wait3A_140] : memref<2048x128xi32, #tpu.memory_space<hbm>> -> memref<64x128xi32, #tpu.memory_space<hbm>>
      %dma_wait3A_142 = arith.constant 0 : i32
      %dma_wait3A_143 = tpu.memref_slice %arg3[%mul3A_2, %dma_wait3A_142] : memref<2048x128xi32, #tpu.memory_space<hbm>> -> memref<64x128xi32, #tpu.memory_space<hbm>>
      tpu.wait_dma2 semaphore(%run_scoped3A_135 : memref<!tpu.dma_semaphore, #tpu.memory_space<semaphore_mem>>) src(%dma_wait3A_143 : memref<64x128xi32, #tpu.memory_space<hbm>>) dst(%arg9 : memref<64x128xi32, #tpu.memory_space<vmem>>)
      tpu.yield
    }) : () -> ()
    %get3A = arith.constant 0 : index
    %get3A_6 = tpu.vector_load %arg7[%get3A] {strides = array<i32>} : memref<16xi32, #tpu.memory_space<vmem>>, vector<16xi32>,
    %add3A_7 = arith.constant 255 : i32
    %add3A_8 = vector.broadcast %add3A_7 : i32 to vector<16xi32>
    %add3A_9 = arith.addi %get3A_6, %add3A_8 : vector<16xi32>
    %shift_right_logical3A = arith.constant 8 : i32
    %shift_right_logical3A_10 = vector.broadcast %shift_right_logical3A : i32 to vector<16xi32>
    %shift_right_logical3A_11 = arith.shrui %add3A_9, %shift_right_logical3A_10 : vector<16xi32>
    %shift_left3A = arith.constant 8 : i32
    %shift_left3A_12 = vector.broadcast %shift_left3A : i32 to vector<16xi32>
    %shift_left3A_13 = arith.shli %shift_right_logical3A_11, %shift_left3A_12 : vector<16xi32>
    %broadcast_in_dim3A = arith.constant true
    %broadcast_in_dim3A_14 = vector.broadcast %broadcast_in_dim3A : i1 to vector<16xi1>
    %masked_cumsum3A = tpu.scan <sum>, %shift_left3A_13 masked %broadcast_in_dim3A_14 : vector<16xi32>, vector<16xi1> -> vector<16xi32>
    %sub3A = arith.subi %masked_cumsum3A, %shift_left3A_13 : vector<16xi32>
    %swap3A = arith.constant 0 : index
    %swap3A_15 = tpu.vector_load %arg8[%swap3A] {strides = array<i32>} : memref<16xi32, #tpu.memory_space<vmem>>, vector<16xi32>,
    tpu.vector_store %arg8[%swap3A], %sub3A {strides = array<i32>} : memref<16xi32, #tpu.memory_space<vmem>>, vector<16xi32>,
    %iota3A = tpu.iota {dimensions = array<i32: 0>} : vector<16xi32>
    %mul3A_16 = arith.constant 0 : i32
    %mul3A_17 = vector.broadcast %mul3A_16 : i32 to vector<16xi32>
    %mul3A_18 = arith.muli %iota3A, %mul3A_17 : vector<16xi32>
    %iota3A_19 = tpu.iota {dimensions = array<i32: 0>} : vector<16xi32>
    %add3A_20 = arith.constant 0 : i32
    %add3A_21 = vector.broadcast %add3A_20 : i32 to vector<16xi32>
    %add3A_22 = arith.addi %iota3A_19, %add3A_21 : vector<16xi32>
    %gather3A = tpu.vector_load_idx %arg9[%add3A_22, %mul3A_18] : memref<64x128xi32, #tpu.memory_space<vmem>>[vector<16xi32>, vector<16xi32>], vector<16xi32>,
    %add3A_23 = arith.constant 8 : i32
    %add3A_24 = vector.broadcast %add3A_23 : i32 to vector<16xi32>
    %add3A_25 = arith.addi %mul3A_18, %add3A_24 : vector<16xi32>
    %gather3A_26 = tpu.vector_load_idx %arg9[%add3A_22, %add3A_25] : memref<64x128xi32, #tpu.memory_space<vmem>>[vector<16xi32>, vector<16xi32>], vector<16xi32>,
    %add3A_27 = arith.constant 16 : i32
    %add3A_28 = vector.broadcast %add3A_27 : i32 to vector<16xi32>
    %add3A_29 = arith.addi %mul3A_18, %add3A_28 : vector<16xi32>
    %gather3A_30 = tpu.vector_load_idx %arg9[%add3A_22, %add3A_29] : memref<64x128xi32, #tpu.memory_space<vmem>>[vector<16xi32>, vector<16xi32>], vector<16xi32>,
    %add3A_31 = arith.constant 24 : i32
    %add3A_32 = vector.broadcast %add3A_31 : i32 to vector<16xi32>
    %add3A_33 = arith.addi %mul3A_18, %add3A_32 : vector<16xi32>
    %gather3A_34 = tpu.vector_load_idx %arg9[%add3A_22, %add3A_33] : memref<64x128xi32, #tpu.memory_space<vmem>>[vector<16xi32>, vector<16xi32>], vector<16xi32>,
    %gather3A_35 = tpu.vector_load_idx %arg8[%gather3A] : memref<16xi32, #tpu.memory_space<vmem>>[vector<16xi32>], vector<16xi32>,
    %add3A_36 = arith.addi %gather3A_35, %gather3A_30 : vector<16xi32>
    %swap3A_37 = arith.constant 0 : index
    %swap3A_38 = tpu.vector_load %arg10[%swap3A_37] {strides = array<i32>} : memref<64xi32, #tpu.memory_space<vmem>>, vector<16xi32>,
    tpu.vector_store %arg10[%swap3A_37], %add3A_36 {strides = array<i32>} : memref<64xi32, #tpu.memory_space<vmem>>, vector<16xi32>,
    %gather3A_39 = tpu.vector_load_idx %arg8[%gather3A_26] : memref<16xi32, #tpu.memory_space<vmem>>[vector<16xi32>], vector<16xi32>,
    %add3A_40 = arith.addi %gather3A_39, %gather3A_34 : vector<16xi32>
    %swap3A_41 = arith.constant 0 : index
    %swap3A_42 = tpu.vector_load %arg11[%swap3A_41] {strides = array<i32>} : memref<64xi32, #tpu.memory_space<vmem>>, vector<16xi32>,
    tpu.vector_store %arg11[%swap3A_41], %add3A_40 {strides = array<i32>} : memref<64xi32, #tpu.memory_space<vmem>>, vector<16xi32>,
    %iota3A_43 = tpu.iota {dimensions = array<i32: 0>} : vector<16xi32>
    %add3A_44 = arith.constant 16 : i32
    %add3A_45 = vector.broadcast %add3A_44 : i32 to vector<16xi32>
    %add3A_46 = arith.addi %iota3A_43, %add3A_45 : vector<16xi32>
    %gather3A_47 = tpu.vector_load_idx %arg9[%add3A_46, %mul3A_18] : memref<64x128xi32, #tpu.memory_space<vmem>>[vector<16xi32>, vector<16xi32>], vector<16xi32>,
    %add3A_48 = arith.constant 8 : i32
    %add3A_49 = vector.broadcast %add3A_48 : i32 to vector<16xi32>
    %add3A_50 = arith.addi %mul3A_18, %add3A_49 : vector<16xi32>
    %gather3A_51 = tpu.vector_load_idx %arg9[%add3A_46, %add3A_50] : memref<64x128xi32, #tpu.memory_space<vmem>>[vector<16xi32>, vector<16xi32>], vector<16xi32>,
    %add3A_52 = arith.constant 16 : i32
    %add3A_53 = vector.broadcast %add3A_52 : i32 to vector<16xi32>
    %add3A_54 = arith.addi %mul3A_18, %add3A_53 : vector<16xi32>
    %gather3A_55 = tpu.vector_load_idx %arg9[%add3A_46, %add3A_54] : memref<64x128xi32, #tpu.memory_space<vmem>>[vector<16xi32>, vector<16xi32>], vector<16xi32>,
    %add3A_56 = arith.constant 24 : i32
    %add3A_57 = vector.broadcast %add3A_56 : i32 to vector<16xi32>
    %add3A_58 = arith.addi %mul3A_18, %add3A_57 : vector<16xi32>
    %gather3A_59 = tpu.vector_load_idx %arg9[%add3A_46, %add3A_58] : memref<64x128xi32, #tpu.memory_space<vmem>>[vector<16xi32>, vector<16xi32>], vector<16xi32>,
    %gather3A_60 = tpu.vector_load_idx %arg8[%gather3A_47] : memref<16xi32, #tpu.memory_space<vmem>>[vector<16xi32>], vector<16xi32>,
    %add3A_61 = arith.addi %gather3A_60, %gather3A_55 : vector<16xi32>
    %swap3A_62 = arith.constant 16 : index
    %swap3A_63 = tpu.vector_load %arg10[%swap3A_62] {strides = array<i32>} : memref<64xi32, #tpu.memory_space<vmem>>, vector<16xi32>,
    tpu.vector_store %arg10[%swap3A_62], %add3A_61 {strides = array<i32>} : memref<64xi32, #tpu.memory_space<vmem>>, vector<16xi32>,
    %gather3A_64 = tpu.vector_load_idx %arg8[%gather3A_51] : memref<16xi32, #tpu.memory_space<vmem>>[vector<16xi32>], vector<16xi32>,
    %add3A_65 = arith.addi %gather3A_64, %gather3A_59 : vector<16xi32>
    %swap3A_66 = arith.constant 16 : index
    %swap3A_67 = tpu.vector_load %arg11[%swap3A_66] {strides = array<i32>} : memref<64xi32, #tpu.memory_space<vmem>>, vector<16xi32>,
    tpu.vector_store %arg11[%swap3A_66], %add3A_65 {strides = array<i32>} : memref<64xi32, #tpu.memory_space<vmem>>, vector<16xi32>,
    %iota3A_68 = tpu.iota {dimensions = array<i32: 0>} : vector<16xi32>
    %add3A_69 = arith.constant 32 : i32
    %add3A_70 = vector.broadcast %add3A_69 : i32 to vector<16xi32>
    %add3A_71 = arith.addi %iota3A_68, %add3A_70 : vector<16xi32>
    %gather3A_72 = tpu.vector_load_idx %arg9[%add3A_71, %mul3A_18] : memref<64x128xi32, #tpu.memory_space<vmem>>[vector<16xi32>, vector<16xi32>], vector<16xi32>,
    %add3A_73 = arith.constant 8 : i32
    %add3A_74 = vector.broadcast %add3A_73 : i32 to vector<16xi32>
    %add3A_75 = arith.addi %mul3A_18, %add3A_74 : vector<16xi32>
    %gather3A_76 = tpu.vector_load_idx %arg9[%add3A_71, %add3A_75] : memref<64x128xi32, #tpu.memory_space<vmem>>[vector<16xi32>, vector<16xi32>], vector<16xi32>,
    %add3A_77 = arith.constant 16 : i32
    %add3A_78 = vector.broadcast %add3A_77 : i32 to vector<16xi32>
    %add3A_79 = arith.addi %mul3A_18, %add3A_78 : vector<16xi32>
    %gather3A_80 = tpu.vector_load_idx %arg9[%add3A_71, %add3A_79] : memref<64x128xi32, #tpu.memory_space<vmem>>[vector<16xi32>, vector<16xi32>], vector<16xi32>,
    %add3A_81 = arith.constant 24 : i32
    %add3A_82 = vector.broadcast %add3A_81 : i32 to vector<16xi32>
    %add3A_83 = arith.addi %mul3A_18, %add3A_82 : vector<16xi32>
    %gather3A_84 = tpu.vector_load_idx %arg9[%add3A_71, %add3A_83] : memref<64x128xi32, #tpu.memory_space<vmem>>[vector<16xi32>, vector<16xi32>], vector<16xi32>,
    %gather3A_85 = tpu.vector_load_idx %arg8[%gather3A_72] : memref<16xi32, #tpu.memory_space<vmem>>[vector<16xi32>], vector<16xi32>,
    %add3A_86 = arith.addi %gather3A_85, %gather3A_80 : vector<16xi32>
    %swap3A_87 = arith.constant 32 : index
    %swap3A_88 = tpu.vector_load %arg10[%swap3A_87] {strides = array<i32>} : memref<64xi32, #tpu.memory_space<vmem>>, vector<16xi32>,
    tpu.vector_store %arg10[%swap3A_87], %add3A_86 {strides = array<i32>} : memref<64xi32, #tpu.memory_space<vmem>>, vector<16xi32>,
    %gather3A_89 = tpu.vector_load_idx %arg8[%gather3A_76] : memref<16xi32, #tpu.memory_space<vmem>>[vector<16xi32>], vector<16xi32>,
    %add3A_90 = arith.addi %gather3A_89, %gather3A_84 : vector<16xi32>
    %swap3A_91 = arith.constant 32 : index
    %swap3A_92 = tpu.vector_load %arg11[%swap3A_91] {strides = array<i32>} : memref<64xi32, #tpu.memory_space<vmem>>, vector<16xi32>,
    tpu.vector_store %arg11[%swap3A_91], %add3A_90 {strides = array<i32>} : memref<64xi32, #tpu.memory_space<vmem>>, vector<16xi32>,
    %iota3A_93 = tpu.iota {dimensions = array<i32: 0>} : vector<16xi32>
    %add3A_94 = arith.constant 48 : i32
    %add3A_95 = vector.broadcast %add3A_94 : i32 to vector<16xi32>
    %add3A_96 = arith.addi %iota3A_93, %add3A_95 : vector<16xi32>
    %gather3A_97 = tpu.vector_load_idx %arg9[%add3A_96, %mul3A_18] : memref<64x128xi32, #tpu.memory_space<vmem>>[vector<16xi32>, vector<16xi32>], vector<16xi32>,
    %add3A_98 = arith.constant 8 : i32
    %add3A_99 = vector.broadcast %add3A_98 : i32 to vector<16xi32>
    %add3A_100 = arith.addi %mul3A_18, %add3A_99 : vector<16xi32>
    %gather3A_101 = tpu.vector_load_idx %arg9[%add3A_96, %add3A_100] : memref<64x128xi32, #tpu.memory_space<vmem>>[vector<16xi32>, vector<16xi32>], vector<16xi32>,
    %add3A_102 = arith.constant 16 : i32
    %add3A_103 = vector.broadcast %add3A_102 : i32 to vector<16xi32>
    %add3A_104 = arith.addi %mul3A_18, %add3A_103 : vector<16xi32>
    %gather3A_105 = tpu.vector_load_idx %arg9[%add3A_96, %add3A_104] : memref<64x128xi32, #tpu.memory_space<vmem>>[vector<16xi32>, vector<16xi32>], vector<16xi32>,
    %add3A_106 = arith.constant 24 : i32
    %add3A_107 = vector.broadcast %add3A_106 : i32 to vector<16xi32>
    %add3A_108 = arith.addi %mul3A_18, %add3A_107 : vector<16xi32>
    %gather3A_109 = tpu.vector_load_idx %arg9[%add3A_96, %add3A_108] : memref<64x128xi32, #tpu.memory_space<vmem>>[vector<16xi32>, vector<16xi32>], vector<16xi32>,
    %gather3A_110 = tpu.vector_load_idx %arg8[%gather3A_97] : memref<16xi32, #tpu.memory_space<vmem>>[vector<16xi32>], vector<16xi32>,
    %add3A_111 = arith.addi %gather3A_110, %gather3A_105 : vector<16xi32>
    %swap3A_112 = arith.constant 48 : index
    %swap3A_113 = tpu.vector_load %arg10[%swap3A_112] {strides = array<i32>} : memref<64xi32, #tpu.memory_space<vmem>>, vector<16xi32>,
    tpu.vector_store %arg10[%swap3A_112], %add3A_111 {strides = array<i32>} : memref<64xi32, #tpu.memory_space<vmem>>, vector<16xi32>,
    %gather3A_114 = tpu.vector_load_idx %arg8[%gather3A_101] : memref<16xi32, #tpu.memory_space<vmem>>[vector<16xi32>], vector<16xi32>,
    %add3A_115 = arith.addi %gather3A_114, %gather3A_109 : vector<16xi32>
    %swap3A_116 = arith.constant 48 : index
    %swap3A_117 = tpu.vector_load %arg11[%swap3A_116] {strides = array<i32>} : memref<64xi32, #tpu.memory_space<vmem>>, vector<16xi32>,
    tpu.vector_store %arg11[%swap3A_116], %add3A_115 {strides = array<i32>} : memref<64xi32, #tpu.memory_space<vmem>>, vector<16xi32>,
    %dma_wait3A = arith.constant 0 : i32
    %dma_wait3A_118 = tpu.memref_slice %arg2[%mul3A_2, %dma_wait3A] : memref<2048x1024xf32, #tpu.memory_space<hbm>> -> memref<64x1024xf32, #tpu.memory_space<hbm>>
    %dma_wait3A_119 = arith.constant 0 : i32
    %dma_wait3A_120 = tpu.memref_slice %arg2[%mul3A_2, %dma_wait3A_119] : memref<2048x1024xf32, #tpu.memory_space<hbm>> -> memref<64x1024xf32, #tpu.memory_space<hbm>>
    tpu.wait_dma2 semaphore(%arg14 : memref<!tpu.dma_semaphore, #tpu.memory_space<semaphore_mem>>) src(%dma_wait3A_120 : memref<64x1024xf32, #tpu.memory_space<hbm>>) dst(%arg12 : memref<64x1024xf32, #tpu.memory_space<vmem>>)
    %dma_start3A_121 = arith.constant 0 : i32
    %dma_start3A_122 = arith.constant 0 : i32
    %dma_start3A_123 = tpu.memref_slice %arg5[%dma_start3A_121, %dma_start3A_122] : memref<8192x1024xf32, #tpu.memory_space<hbm>> -> memref<8192x1024xf32, #tpu.memory_space<hbm>>
    tpu.enqueue_indirect_dma source(%arg12 : memref<64x1024xf32, #tpu.memory_space<vmem>>) target(%dma_start3A_123 : memref<8192x1024xf32, #tpu.memory_space<hbm>>) offsets(%arg10 : memref<64xi32, #tpu.memory_space<vmem>>) semaphore(%arg13 : memref<!tpu.dma_semaphore, #tpu.memory_space<semaphore_mem>>)
    %dma_start3A_124 = arith.constant 0 : i32
    %dma_start3A_125 = arith.constant 0 : i32
    %dma_start3A_126 = tpu.memref_slice %arg5[%dma_start3A_124, %dma_start3A_125] : memref<8192x1024xf32, #tpu.memory_space<hbm>> -> memref<8192x1024xf32, #tpu.memory_space<hbm>>
    tpu.enqueue_indirect_dma source(%arg12 : memref<64x1024xf32, #tpu.memory_space<vmem>>) target(%dma_start3A_126 : memref<8192x1024xf32, #tpu.memory_space<hbm>>) offsets(%arg11 : memref<64xi32, #tpu.memory_space<vmem>>) semaphore(%arg13 : memref<!tpu.dma_semaphore, #tpu.memory_space<semaphore_mem>>)
    "tpu.region"() ({
      %run_scoped3A_135 = tpu.sem_alloc : memref<!tpu.dma_semaphore, #tpu.memory_space<semaphore_mem>>
      %dma_start3A_136 = tpu.memref_slice %arg6[%mul3A_2] : memref<4096xi32, #tpu.memory_space<hbm>> -> memref<64xi32, #tpu.memory_space<hbm>>
      %dma_start3A_137 = tpu.memref_slice %arg6[%mul3A_2] : memref<4096xi32, #tpu.memory_space<hbm>> -> memref<64xi32, #tpu.memory_space<hbm>>
      tpu.enqueue_dma source(%arg10 : memref<64xi32, #tpu.memory_space<vmem>>) target(%dma_start3A_137 : memref<64xi32, #tpu.memory_space<hbm>>) target_semaphore(%run_scoped3A_135 : memref<!tpu.dma_semaphore, #tpu.memory_space<semaphore_mem>>)
      %dma_wait3A_138 = tpu.memref_slice %arg6[%mul3A_2] : memref<4096xi32, #tpu.memory_space<hbm>> -> memref<64xi32, #tpu.memory_space<hbm>>
      %dma_wait3A_139 = tpu.memref_slice %arg6[%mul3A_2] : memref<4096xi32, #tpu.memory_space<hbm>> -> memref<64xi32, #tpu.memory_space<hbm>>
      tpu.wait_dma2 semaphore(%run_scoped3A_135 : memref<!tpu.dma_semaphore, #tpu.memory_space<semaphore_mem>>) src(%arg10 : memref<64xi32, #tpu.memory_space<vmem>>) dst(%dma_wait3A_139 : memref<64xi32, #tpu.memory_space<hbm>>)
      tpu.yield
    }) : () -> ()
    %add3A_127 = arith.constant 2048 : i32
    %add3A_128 = arith.addi %add3A_127, %mul3A_2 : i32
    "tpu.region"() ({
      %run_scoped3A_135 = tpu.sem_alloc : memref<!tpu.dma_semaphore, #tpu.memory_space<semaphore_mem>>
      %dma_start3A_136 = tpu.memref_slice %arg6[%add3A_128] : memref<4096xi32, #tpu.memory_space<hbm>> -> memref<64xi32, #tpu.memory_space<hbm>>
      %dma_start3A_137 = tpu.memref_slice %arg6[%add3A_128] : memref<4096xi32, #tpu.memory_space<hbm>> -> memref<64xi32, #tpu.memory_space<hbm>>
      tpu.enqueue_dma source(%arg11 : memref<64xi32, #tpu.memory_space<vmem>>) target(%dma_start3A_137 : memref<64xi32, #tpu.memory_space<hbm>>) target_semaphore(%run_scoped3A_135 : memref<!tpu.dma_semaphore, #tpu.memory_space<semaphore_mem>>)
      %dma_wait3A_138 = tpu.memref_slice %arg6[%add3A_128] : memref<4096xi32, #tpu.memory_space<hbm>> -> memref<64xi32, #tpu.memory_space<hbm>>
      %dma_wait3A_139 = tpu.memref_slice %arg6[%add3A_128] : memref<4096xi32, #tpu.memory_space<hbm>> -> memref<64xi32, #tpu.memory_space<hbm>>
      tpu.wait_dma2 semaphore(%run_scoped3A_135 : memref<!tpu.dma_semaphore, #tpu.memory_space<semaphore_mem>>) src(%arg11 : memref<64xi32, #tpu.memory_space<vmem>>) dst(%dma_wait3A_139 : memref<64xi32, #tpu.memory_space<hbm>>)
      tpu.yield
    }) : () -> ()
    %dma_wait3A_129 = arith.constant 0 : i32
    %dma_wait3A_130 = arith.constant 0 : i32
    %dma_wait3A_131 = tpu.memref_slice %arg5[%dma_wait3A_129, %dma_wait3A_130] : memref<8192x1024xf32, #tpu.memory_space<hbm>> -> memref<8192x1024xf32, #tpu.memory_space<hbm>>
    tpu.wait_indirect_dma semaphore(%arg13 : memref<!tpu.dma_semaphore, #tpu.memory_space<semaphore_mem>>) src(%arg12 : memref<64x1024xf32, #tpu.memory_space<vmem>>) dst(%dma_wait3A_131 : memref<8192x1024xf32, #tpu.memory_space<hbm>>)
    %dma_wait3A_132 = arith.constant 0 : i32
    %dma_wait3A_133 = arith.constant 0 : i32
    %dma_wait3A_134 = tpu.memref_slice %arg5[%dma_wait3A_132, %dma_wait3A_133] : memref<8192x1024xf32, #tpu.memory_space<hbm>> -> memref<8192x1024xf32, #tpu.memory_space<hbm>>
    tpu.wait_indirect_dma semaphore(%arg13 : memref<!tpu.dma_semaphore, #tpu.memory_space<semaphore_mem>>) src(%arg12 : memref<64x1024xf32, #tpu.memory_space<vmem>>) dst(%dma_wait3A_134 : memref<8192x1024xf32, #tpu.memory_space<hbm>>)
    return
  }
}

module attributes {stable_mosaic.version = 14 : i64} {
  func.func @_shared_body(%arg0: i32, %arg1: memref<1024x1024xf32, #tpu.memory_space<vmem>>, %arg2: memref<1024x1024xf32, #tpu.memory_space<vmem>>, %arg3: memref<1024x1024xf32, #tpu.memory_space<vmem>>, %arg4: memref<2x1024x512xf32, #tpu.memory_space<vmem>>, %arg5: memref<1024x1024xf32, #tpu.memory_space<vmem>>) attributes {dimension_semantics = [#tpu.dimension_semantics<arbitrary>], iteration_bounds = array<i64: 1>, scalar_prefetch = 0 : i64, scratch_operands = 0 : i64, tpu.core_type = #tpu.core_type<tc>, window_params = [{transform_indices = @transform_0, window_bounds = array<i64: 1024, 1024>}, {pipeline_mode = #tpu.pipeline_mode<synchronous>, transform_indices = @transform_1, window_bounds = array<i64: 1024, 1024>}, {pipeline_mode = #tpu.pipeline_mode<synchronous>, transform_indices = @transform_2, window_bounds = array<i64: 1024, 1024>}, {pipeline_mode = #tpu.pipeline_mode<synchronous>, transform_indices = @transform_3, window_bounds = array<i64: 2, 1024, 512>}, {pipeline_mode = #tpu.pipeline_mode<synchronous>, transform_indices = @transform_4, window_bounds = array<i64: 1024, 1024>}]} {
    %get3A = arith.constant 0 : index
    %get3A_0 = arith.constant 0 : index
    %get3A_1 = vector.load %arg1[%get3A, %get3A_0] : memref<1024x1024xf32, #tpu.memory_space<vmem>>, vector<1024x1024xf32>
    %convert_element_type3A = arith.truncf %get3A_1 : vector<1024x1024xf32> to vector<1024x1024xbf16>
    %get3A_2 = arith.constant 0 : index
    %get3A_3 = arith.constant 0 : index
    %get3A_4 = vector.load %arg2[%get3A_2, %get3A_3] : memref<1024x1024xf32, #tpu.memory_space<vmem>>, vector<1024x1024xf32>
    %convert_element_type3A_5 = arith.truncf %get3A_4 : vector<1024x1024xf32> to vector<1024x1024xbf16>
    %dot_general3A = arith.constant dense<0.000000e+00> : vector<1024x1024xf32>
    %dot_general3A_6 = tpu.matmul %convert_element_type3A, %convert_element_type3A_5, %dot_general3A {dimension_numbers = #tpu.dot_dimension_numbers<[1], [1], [0], [0], [0, 0, 1, 0], [], []>, transpose_lhs_hint = false} : vector<1024x1024xbf16>, vector<1024x1024xbf16>, vector<1024x1024xf32> -> vector<1024x1024xf32>
    %get3A_7 = arith.constant 0 : index
    %get3A_8 = arith.constant 0 : index
    %get3A_9 = vector.load %arg3[%get3A_7, %get3A_8] : memref<1024x1024xf32, #tpu.memory_space<vmem>>, vector<1024x1024xf32>
    %convert_element_type3A_10 = arith.truncf %get3A_9 : vector<1024x1024xf32> to vector<1024x1024xbf16>
    %dot_general3A_11 = arith.constant dense<0.000000e+00> : vector<1024x1024xf32>
    %dot_general3A_12 = tpu.matmul %convert_element_type3A, %convert_element_type3A_10, %dot_general3A_11 {dimension_numbers = #tpu.dot_dimension_numbers<[1], [1], [0], [0], [0, 0, 1, 0], [], []>, transpose_lhs_hint = false} : vector<1024x1024xbf16>, vector<1024x1024xbf16>, vector<1024x1024xf32> -> vector<1024x1024xf32>
    %logistic3A = arith.negf %dot_general3A_6 : vector<1024x1024xf32>
    %logistic3A_13 = math.exp %logistic3A : vector<1024x1024xf32>
    %logistic3A_14 = arith.constant 1.000000e+00 : f32
    %logistic3A_15 = vector.broadcast %logistic3A_14 : f32 to vector<1024x1024xf32>
    %logistic3A_16 = arith.addf %logistic3A_15, %logistic3A_13 : vector<1024x1024xf32>
    %logistic3A_17 = arith.divf %logistic3A_15, %logistic3A_16 : vector<1024x1024xf32>
    %mul3A = arith.mulf %dot_general3A_6, %logistic3A_17 : vector<1024x1024xf32>
    %mul3A_18 = arith.mulf %mul3A, %dot_general3A_12 : vector<1024x1024xf32>
    %convert_element_type3A_19 = arith.truncf %mul3A_18 : vector<1024x1024xf32> to vector<1024x1024xbf16>
    %slice3A = vector.extract_strided_slice %convert_element_type3A_19 {offsets = [0, 0], sizes = [1024, 512], strides = [1, 1]} : vector<1024x1024xbf16> to vector<1024x512xbf16>
    %get3A_20 = arith.constant 0 : index
    %get3A_21 = arith.constant 0 : index
    %get3A_22 = arith.constant 0 : index
    %get3A_23 = vector.load %arg4[%get3A_20, %get3A_21, %get3A_22] : memref<2x1024x512xf32, #tpu.memory_space<vmem>>, vector<1x1024x512xf32>
    %get3A_24 = vector.shape_cast %get3A_23 : vector<1x1024x512xf32> to vector<1024x512xf32>
    %convert_element_type3A_25 = arith.truncf %get3A_24 : vector<1024x512xf32> to vector<1024x512xbf16>
    %dot_general3A_26 = arith.constant dense<0.000000e+00> : vector<1024x1024xf32>
    %dot_general3A_27 = tpu.matmul %slice3A, %convert_element_type3A_25, %dot_general3A_26 {dimension_numbers = #tpu.dot_dimension_numbers<[1], [1], [0], [0], [0, 0, 1, 0], [], []>, transpose_lhs_hint = false} : vector<1024x512xbf16>, vector<1024x512xbf16>, vector<1024x1024xf32> -> vector<1024x1024xf32>
    %slice3A_28 = vector.extract_strided_slice %convert_element_type3A_19 {offsets = [0, 512], sizes = [1024, 512], strides = [1, 1]} : vector<1024x1024xbf16> to vector<1024x512xbf16>
    %get3A_29 = arith.constant 1 : index
    %get3A_30 = arith.constant 0 : index
    %get3A_31 = arith.constant 0 : index
    %get3A_32 = vector.load %arg4[%get3A_29, %get3A_30, %get3A_31] : memref<2x1024x512xf32, #tpu.memory_space<vmem>>, vector<1x1024x512xf32>
    %get3A_33 = vector.shape_cast %get3A_32 : vector<1x1024x512xf32> to vector<1024x512xf32>
    %convert_element_type3A_34 = arith.truncf %get3A_33 : vector<1024x512xf32> to vector<1024x512xbf16>
    %dot_general3A_35 = arith.constant dense<0.000000e+00> : vector<1024x1024xf32>
    %dot_general3A_36 = tpu.matmul %slice3A_28, %convert_element_type3A_34, %dot_general3A_35 {dimension_numbers = #tpu.dot_dimension_numbers<[1], [1], [0], [0], [0, 0, 1, 0], [], []>, transpose_lhs_hint = false} : vector<1024x512xbf16>, vector<1024x512xbf16>, vector<1024x1024xf32> -> vector<1024x1024xf32>
    %add3A = arith.addf %dot_general3A_27, %dot_general3A_36 : vector<1024x1024xf32>
    %swap3A = arith.constant 0 : index
    %swap3A_37 = arith.constant 0 : index
    %swap3A_38 = vector.load %arg5[%swap3A, %swap3A_37] : memref<1024x1024xf32, #tpu.memory_space<vmem>>, vector<1024x1024xf32>
    tpu.vector_store %arg5[%swap3A, %swap3A_37], %add3A {strides = array<i32>} : memref<1024x1024xf32, #tpu.memory_space<vmem>>, vector<1024x1024xf32>,
    return
  }
  func.func @transform_0(%arg0: i32) -> (i32, i32) {
    %c1_i32 = arith.constant 1 : i32
    %c0_i32 = arith.constant 0 : i32
    %c0_i32_0 = arith.constant 0 : i32
    return %c1_i32, %c0_i32 : i32, i32
  }
  func.func @transform_1(%arg0: i32) -> (i32, i32) {
    %c0_i32 = arith.constant 0 : i32
    %c0_i32_0 = arith.constant 0 : i32
    %c0_i32_1 = arith.constant 0 : i32
    return %c0_i32, %c0_i32_0 : i32, i32
  }
  func.func @transform_2(%arg0: i32) -> (i32, i32) {
    %c0_i32 = arith.constant 0 : i32
    %c0_i32_0 = arith.constant 0 : i32
    %c0_i32_1 = arith.constant 0 : i32
    return %c0_i32, %c0_i32_0 : i32, i32
  }
  func.func @transform_3(%arg0: i32) -> (i32, i32, i32) {
    %c0_i32 = arith.constant 0 : i32
    %c0_i32_0 = arith.constant 0 : i32
    %c0_i32_1 = arith.constant 0 : i32
    %c0_i32_2 = arith.constant 0 : i32
    return %c0_i32, %c0_i32_0, %c0_i32_1 : i32, i32, i32
  }
  func.func @transform_4(%arg0: i32) -> (i32, i32) {
    %c0_i32 = arith.constant 0 : i32
    %c0_i32_0 = arith.constant 0 : i32
    %c0_i32_1 = arith.constant 0 : i32
    return %c0_i32, %c0_i32_0 : i32, i32
  }
}

module attributes {stable_mosaic.version = 14 : i64} {
  func.func @_shared_body(%arg0: i32, %arg1: memref<1024x1024xf32, #tpu.memory_space<vmem>>, %arg2: memref<1024x1024xf32, #tpu.memory_space<vmem>>, %arg3: memref<1024x1024xf32, #tpu.memory_space<vmem>>, %arg4: memref<2x1024x512xf32, #tpu.memory_space<vmem>>, %arg5: memref<1024x1024xf32, #tpu.memory_space<vmem>>) attributes {dimension_semantics = [#tpu.dimension_semantics<arbitrary>], iteration_bounds = array<i64: 1>, scalar_prefetch = 0 : i64, scratch_operands = 0 : i64, tpu.core_type = #tpu.core_type<tc>, window_params = [{transform_indices = @transform_0, window_bounds = array<i64: 1024, 1024>}, {pipeline_mode = #tpu.pipeline_mode<synchronous>, transform_indices = @transform_1, window_bounds = array<i64: 1024, 1024>}, {pipeline_mode = #tpu.pipeline_mode<synchronous>, transform_indices = @transform_2, window_bounds = array<i64: 1024, 1024>}, {pipeline_mode = #tpu.pipeline_mode<synchronous>, transform_indices = @transform_3, window_bounds = array<i64: 2, 1024, 512>}, {pipeline_mode = #tpu.pipeline_mode<synchronous>, transform_indices = @transform_4, window_bounds = array<i64: 1024, 1024>}]} {
    %get3A = arith.constant 0 : index
    %get3A_0 = arith.constant 0 : index
    %get3A_1 = vector.load %arg1[%get3A, %get3A_0] : memref<1024x1024xf32, #tpu.memory_space<vmem>>, vector<1024x1024xf32>
    %convert_element_type3A = arith.truncf %get3A_1 : vector<1024x1024xf32> to vector<1024x1024xbf16>
    %get3A_2 = arith.constant 0 : index
    %get3A_3 = arith.constant 0 : index
    %get3A_4 = vector.load %arg2[%get3A_2, %get3A_3] : memref<1024x1024xf32, #tpu.memory_space<vmem>>, vector<1024x1024xf32>
    %convert_element_type3A_5 = arith.truncf %get3A_4 : vector<1024x1024xf32> to vector<1024x1024xbf16>
    %dot_general3A = arith.constant dense<0.000000e+00> : vector<1024x1024xf32>
    %dot_general3A_6 = tpu.matmul %convert_element_type3A, %convert_element_type3A_5, %dot_general3A {dimension_numbers = #tpu.dot_dimension_numbers<[1], [1], [0], [0], [0, 0, 1, 0], [], []>, transpose_lhs_hint = false} : vector<1024x1024xbf16>, vector<1024x1024xbf16>, vector<1024x1024xf32> -> vector<1024x1024xf32>
    %get3A_7 = arith.constant 0 : index
    %get3A_8 = arith.constant 0 : index
    %get3A_9 = vector.load %arg3[%get3A_7, %get3A_8] : memref<1024x1024xf32, #tpu.memory_space<vmem>>, vector<1024x1024xf32>
    %convert_element_type3A_10 = arith.truncf %get3A_9 : vector<1024x1024xf32> to vector<1024x1024xbf16>
    %dot_general3A_11 = arith.constant dense<0.000000e+00> : vector<1024x1024xf32>
    %dot_general3A_12 = tpu.matmul %convert_element_type3A, %convert_element_type3A_10, %dot_general3A_11 {dimension_numbers = #tpu.dot_dimension_numbers<[1], [1], [0], [0], [0, 0, 1, 0], [], []>, transpose_lhs_hint = false} : vector<1024x1024xbf16>, vector<1024x1024xbf16>, vector<1024x1024xf32> -> vector<1024x1024xf32>
    %logistic3A = arith.negf %dot_general3A_6 : vector<1024x1024xf32>
    %logistic3A_13 = math.exp %logistic3A : vector<1024x1024xf32>
    %logistic3A_14 = arith.constant 1.000000e+00 : f32
    %logistic3A_15 = vector.broadcast %logistic3A_14 : f32 to vector<1024x1024xf32>
    %logistic3A_16 = arith.addf %logistic3A_15, %logistic3A_13 : vector<1024x1024xf32>
    %logistic3A_17 = arith.divf %logistic3A_15, %logistic3A_16 : vector<1024x1024xf32>
    %mul3A = arith.mulf %dot_general3A_6, %logistic3A_17 : vector<1024x1024xf32>
    %mul3A_18 = arith.mulf %mul3A, %dot_general3A_12 : vector<1024x1024xf32>
    %convert_element_type3A_19 = arith.truncf %mul3A_18 : vector<1024x1024xf32> to vector<1024x1024xbf16>
    %slice3A = vector.extract_strided_slice %convert_element_type3A_19 {offsets = [0, 0], sizes = [1024, 512], strides = [1, 1]} : vector<1024x1024xbf16> to vector<1024x512xbf16>
    %get3A_20 = arith.constant 0 : index
    %get3A_21 = arith.constant 0 : index
    %get3A_22 = arith.constant 0 : index
    %get3A_23 = vector.load %arg4[%get3A_20, %get3A_21, %get3A_22] : memref<2x1024x512xf32, #tpu.memory_space<vmem>>, vector<1x1024x512xf32>
    %get3A_24 = vector.shape_cast %get3A_23 : vector<1x1024x512xf32> to vector<1024x512xf32>
    %convert_element_type3A_25 = arith.truncf %get3A_24 : vector<1024x512xf32> to vector<1024x512xbf16>
    %dot_general3A_26 = arith.constant dense<0.000000e+00> : vector<1024x1024xf32>
    %dot_general3A_27 = tpu.matmul %slice3A, %convert_element_type3A_25, %dot_general3A_26 {dimension_numbers = #tpu.dot_dimension_numbers<[1], [1], [0], [0], [0, 0, 1, 0], [], []>, transpose_lhs_hint = false} : vector<1024x512xbf16>, vector<1024x512xbf16>, vector<1024x1024xf32> -> vector<1024x1024xf32>
    %slice3A_28 = vector.extract_strided_slice %convert_element_type3A_19 {offsets = [0, 512], sizes = [1024, 512], strides = [1, 1]} : vector<1024x1024xbf16> to vector<1024x512xbf16>
    %get3A_29 = arith.constant 1 : index
    %get3A_30 = arith.constant 0 : index
    %get3A_31 = arith.constant 0 : index
    %get3A_32 = vector.load %arg4[%get3A_29, %get3A_30, %get3A_31] : memref<2x1024x512xf32, #tpu.memory_space<vmem>>, vector<1x1024x512xf32>
    %get3A_33 = vector.shape_cast %get3A_32 : vector<1x1024x512xf32> to vector<1024x512xf32>
    %convert_element_type3A_34 = arith.truncf %get3A_33 : vector<1024x512xf32> to vector<1024x512xbf16>
    %dot_general3A_35 = arith.constant dense<0.000000e+00> : vector<1024x1024xf32>
    %dot_general3A_36 = tpu.matmul %slice3A_28, %convert_element_type3A_34, %dot_general3A_35 {dimension_numbers = #tpu.dot_dimension_numbers<[1], [1], [0], [0], [0, 0, 1, 0], [], []>, transpose_lhs_hint = false} : vector<1024x512xbf16>, vector<1024x512xbf16>, vector<1024x1024xf32> -> vector<1024x1024xf32>
    %add3A = arith.addf %dot_general3A_27, %dot_general3A_36 : vector<1024x1024xf32>
    %swap3A = arith.constant 0 : index
    %swap3A_37 = arith.constant 0 : index
    %swap3A_38 = vector.load %arg5[%swap3A, %swap3A_37] : memref<1024x1024xf32, #tpu.memory_space<vmem>>, vector<1024x1024xf32>
    tpu.vector_store %arg5[%swap3A, %swap3A_37], %add3A {strides = array<i32>} : memref<1024x1024xf32, #tpu.memory_space<vmem>>, vector<1024x1024xf32>,
    return
  }
  func.func @transform_0(%arg0: i32) -> (i32, i32) {
    %c0_i32 = arith.constant 0 : i32
    %c0_i32_0 = arith.constant 0 : i32
    %c0_i32_1 = arith.constant 0 : i32
    return %c0_i32, %c0_i32_0 : i32, i32
  }
  func.func @transform_1(%arg0: i32) -> (i32, i32) {
    %c0_i32 = arith.constant 0 : i32
    %c0_i32_0 = arith.constant 0 : i32
    %c0_i32_1 = arith.constant 0 : i32
    return %c0_i32, %c0_i32_0 : i32, i32
  }
  func.func @transform_2(%arg0: i32) -> (i32, i32) {
    %c0_i32 = arith.constant 0 : i32
    %c0_i32_0 = arith.constant 0 : i32
    %c0_i32_1 = arith.constant 0 : i32
    return %c0_i32, %c0_i32_0 : i32, i32
  }
  func.func @transform_3(%arg0: i32) -> (i32, i32, i32) {
    %c0_i32 = arith.constant 0 : i32
    %c0_i32_0 = arith.constant 0 : i32
    %c0_i32_1 = arith.constant 0 : i32
    %c0_i32_2 = arith.constant 0 : i32
    return %c0_i32, %c0_i32_0, %c0_i32_1 : i32, i32, i32
  }
  func.func @transform_4(%arg0: i32) -> (i32, i32) {
    %c0_i32 = arith.constant 0 : i32
    %c0_i32_0 = arith.constant 0 : i32
    %c0_i32_1 = arith.constant 0 : i32
    return %c0_i32, %c0_i32_0 : i32, i32
  }
}

module attributes {stable_mosaic.version = 14 : i64} {
  func.func @_expert_body(%arg0: i32, %arg1: memref<32x8xi32, #tpu.memory_space<smem>>, %arg2: memref<256x1024xf32, #tpu.memory_space<vmem>>, %arg3: memref<1x256x1024xf32, #tpu.memory_space<vmem>>, %arg4: memref<1x256x1024xf32, #tpu.memory_space<vmem>>, %arg5: memref<1x1024x256xf32, #tpu.memory_space<vmem>>, %arg6: memref<256x1024xf32, #tpu.memory_space<vmem>>) attributes {dimension_semantics = [#tpu.dimension_semantics<arbitrary>], iteration_bounds = array<i64: 32>, scalar_prefetch = 1 : i64, scratch_operands = 0 : i64, tpu.core_type = #tpu.core_type<tc>, window_params = [{transform_indices = @transform_0, window_bounds = array<i64: 256, 1024>}, {transform_indices = @transform_1, window_bounds = array<i64: 1, 256, 1024>}, {transform_indices = @transform_2, window_bounds = array<i64: 1, 256, 1024>}, {transform_indices = @transform_3, window_bounds = array<i64: 1, 1024, 256>}, {transform_indices = @transform_4, window_bounds = array<i64: 256, 1024>}]} {
    %get3A = arith.constant 0 : index
    %get3A_0 = arith.constant 0 : index
    %get3A_1 = vector.load %arg2[%get3A, %get3A_0] : memref<256x1024xf32, #tpu.memory_space<vmem>>, vector<256x1024xf32>
    %convert_element_type3A = arith.truncf %get3A_1 : vector<256x1024xf32> to vector<256x1024xbf16>
    %get3A_2 = arith.constant 0 : index
    %get3A_3 = arith.constant 0 : index
    %get3A_4 = arith.constant 0 : index
    %get3A_5 = vector.load %arg3[%get3A_2, %get3A_3, %get3A_4] : memref<1x256x1024xf32, #tpu.memory_space<vmem>>, vector<1x256x1024xf32>
    %get3A_6 = vector.shape_cast %get3A_5 : vector<1x256x1024xf32> to vector<256x1024xf32>
    %convert_element_type3A_7 = arith.truncf %get3A_6 : vector<256x1024xf32> to vector<256x1024xbf16>
    %dot_general3A = arith.constant dense<0.000000e+00> : vector<256x256xf32>
    %dot_general3A_8 = tpu.matmul %convert_element_type3A, %convert_element_type3A_7, %dot_general3A {dimension_numbers = #tpu.dot_dimension_numbers<[1], [1], [0], [0], [0, 0, 1, 0], [], []>, transpose_lhs_hint = false} : vector<256x1024xbf16>, vector<256x1024xbf16>, vector<256x256xf32> -> vector<256x256xf32>
    %get3A_9 = arith.constant 0 : index
    %get3A_10 = arith.constant 0 : index
    %get3A_11 = arith.constant 0 : index
    %get3A_12 = vector.load %arg4[%get3A_9, %get3A_10, %get3A_11] : memref<1x256x1024xf32, #tpu.memory_space<vmem>>, vector<1x256x1024xf32>
    %get3A_13 = vector.shape_cast %get3A_12 : vector<1x256x1024xf32> to vector<256x1024xf32>
    %convert_element_type3A_14 = arith.truncf %get3A_13 : vector<256x1024xf32> to vector<256x1024xbf16>
    %dot_general3A_15 = arith.constant dense<0.000000e+00> : vector<256x256xf32>
    %dot_general3A_16 = tpu.matmul %convert_element_type3A, %convert_element_type3A_14, %dot_general3A_15 {dimension_numbers = #tpu.dot_dimension_numbers<[1], [1], [0], [0], [0, 0, 1, 0], [], []>, transpose_lhs_hint = false} : vector<256x1024xbf16>, vector<256x1024xbf16>, vector<256x256xf32> -> vector<256x256xf32>
    %logistic3A = arith.negf %dot_general3A_8 : vector<256x256xf32>
    %logistic3A_17 = math.exp %logistic3A : vector<256x256xf32>
    %logistic3A_18 = arith.constant 1.000000e+00 : f32
    %logistic3A_19 = vector.broadcast %logistic3A_18 : f32 to vector<256x256xf32>
    %logistic3A_20 = arith.addf %logistic3A_19, %logistic3A_17 : vector<256x256xf32>
    %logistic3A_21 = arith.divf %logistic3A_19, %logistic3A_20 : vector<256x256xf32>
    %mul3A = arith.mulf %dot_general3A_8, %logistic3A_21 : vector<256x256xf32>
    %mul3A_22 = arith.mulf %mul3A, %dot_general3A_16 : vector<256x256xf32>
    %convert_element_type3A_23 = arith.truncf %mul3A_22 : vector<256x256xf32> to vector<256x256xbf16>
    %get3A_24 = arith.constant 0 : index
    %get3A_25 = arith.constant 0 : index
    %get3A_26 = arith.constant 0 : index
    %get3A_27 = vector.load %arg5[%get3A_24, %get3A_25, %get3A_26] : memref<1x1024x256xf32, #tpu.memory_space<vmem>>, vector<1x1024x256xf32>
    %get3A_28 = vector.shape_cast %get3A_27 : vector<1x1024x256xf32> to vector<1024x256xf32>
    %convert_element_type3A_29 = arith.truncf %get3A_28 : vector<1024x256xf32> to vector<1024x256xbf16>
    %dot_general3A_30 = arith.constant dense<0.000000e+00> : vector<256x1024xf32>
    %dot_general3A_31 = tpu.matmul %convert_element_type3A_23, %convert_element_type3A_29, %dot_general3A_30 {dimension_numbers = #tpu.dot_dimension_numbers<[1], [1], [0], [0], [0, 0, 1, 0], [], []>, transpose_lhs_hint = false} : vector<256x256xbf16>, vector<1024x256xbf16>, vector<256x1024xf32> -> vector<256x1024xf32>
    %swap3A = arith.constant 0 : index
    %swap3A_32 = arith.constant 0 : index
    %swap3A_33 = vector.load %arg6[%swap3A, %swap3A_32] : memref<256x1024xf32, #tpu.memory_space<vmem>>, vector<256x1024xf32>
    tpu.vector_store %arg6[%swap3A, %swap3A_32], %dot_general3A_31 {strides = array<i32>} : memref<256x1024xf32, #tpu.memory_space<vmem>>, vector<256x1024xf32>,
    return
  }
  func.func @transform_0(%arg0: i32, %arg1: memref<32x8xi32, #tpu.memory_space<smem>>) -> (i32, i32) {
    %c0_i32 = arith.constant 0 : i32
    %c0_i32_0 = arith.constant 0 : i32
    return %arg0, %c0_i32 : i32, i32
  }
  func.func @transform_1(%arg0: i32, %arg1: memref<32x8xi32, #tpu.memory_space<smem>>) -> (i32, i32, i32) {
    %get3A = arith.index_cast %arg0 : i32 to index
    %get3A_0 = arith.constant 0 : index
    %get3A_1 = memref.load %arg1[%get3A, %get3A_0] : memref<32x8xi32, #tpu.memory_space<smem>>
    %c0_i32 = arith.constant 0 : i32
    %c0_i32_2 = arith.constant 0 : i32
    %c0_i32_3 = arith.constant 0 : i32
    return %get3A_1, %c0_i32, %c0_i32_2 : i32, i32, i32
  }
  func.func @transform_2(%arg0: i32, %arg1: memref<32x8xi32, #tpu.memory_space<smem>>) -> (i32, i32, i32) {
    %get3A = arith.index_cast %arg0 : i32 to index
    %get3A_0 = arith.constant 0 : index
    %get3A_1 = memref.load %arg1[%get3A, %get3A_0] : memref<32x8xi32, #tpu.memory_space<smem>>
    %c0_i32 = arith.constant 0 : i32
    %c0_i32_2 = arith.constant 0 : i32
    %c0_i32_3 = arith.constant 0 : i32
    return %get3A_1, %c0_i32, %c0_i32_2 : i32, i32, i32
  }
  func.func @transform_3(%arg0: i32, %arg1: memref<32x8xi32, #tpu.memory_space<smem>>) -> (i32, i32, i32) {
    %get3A = arith.index_cast %arg0 : i32 to index
    %get3A_0 = arith.constant 0 : index
    %get3A_1 = memref.load %arg1[%get3A, %get3A_0] : memref<32x8xi32, #tpu.memory_space<smem>>
    %c0_i32 = arith.constant 0 : i32
    %c0_i32_2 = arith.constant 0 : i32
    %c0_i32_3 = arith.constant 0 : i32
    return %get3A_1, %c0_i32, %c0_i32_2 : i32, i32, i32
  }
  func.func @transform_4(%arg0: i32, %arg1: memref<32x8xi32, #tpu.memory_space<smem>>) -> (i32, i32) {
    %c0_i32 = arith.constant 0 : i32
    %c0_i32_0 = arith.constant 0 : i32
    return %arg0, %c0_i32 : i32, i32
  }
}

module attributes {stable_mosaic.version = 14 : i64} {
  func.func @_router_body(%arg0: i32, %arg1: memref<256x1024xf32, #tpu.memory_space<vmem>>, %arg2: memref<16x1024xf32, #tpu.memory_space<vmem>>, %arg3: memref<256x8xf32, #tpu.memory_space<vmem>>, %arg4: memref<256x8xf32, #tpu.memory_space<vmem>>, %arg5: memref<256x128xi32, #tpu.memory_space<vmem>>, %arg6: memref<32x8xi32, #tpu.memory_space<vmem>>, %arg7: memref<1x16xi32, #tpu.memory_space<vmem>>, %arg8: memref<1x16xi32, #tpu.memory_space<vmem>>, %arg9: memref<512x512xbf16, #tpu.memory_space<vmem>>) attributes {dimension_semantics = [#tpu.dimension_semantics<arbitrary>], iteration_bounds = array<i64: 8>, scalar_prefetch = 0 : i64, scratch_operands = 2 : i64, tpu.core_type = #tpu.core_type<tc>, window_params = [{transform_indices = @transform_0, window_bounds = array<i64: 256, 1024>}, {pipeline_mode = #tpu.pipeline_mode<synchronous>, transform_indices = @transform_1, window_bounds = array<i64: 16, 1024>}, {transform_indices = @transform_2, window_bounds = array<i64: 256, 8>}, {transform_indices = @transform_3, window_bounds = array<i64: 256, 8>}, {transform_indices = @transform_4, window_bounds = array<i64: 256, 128>}, {pipeline_mode = #tpu.pipeline_mode<synchronous>, transform_indices = @transform_5, window_bounds = array<i64: 32, 8>}, {pipeline_mode = #tpu.pipeline_mode<synchronous>, transform_indices = @transform_6, window_bounds = array<i64: 1, 16>}]} {
    %eq3A = arith.constant 0 : i32
    %eq3A_0 = arith.cmpi eq, %arg0, %eq3A : i32
    %convert_element_type3A = arith.extui %eq3A_0 : i1 to i32
    %cond3A = arith.constant 0 : i32
    %cond3A_1 = arith.cmpi ne, %convert_element_type3A, %cond3A : i32
    scf.if %cond3A_1 {
      %broadcast_in_dim3A_150 = arith.constant 0 : i32
      %broadcast_in_dim3A_151 = vector.broadcast %broadcast_in_dim3A_150 : i32 to vector<1x16xi32>
      %swap3A_152 = arith.constant 0 : index
      %swap3A_153 = arith.constant 0 : index
      %swap3A_154 = vector.load %arg8[%swap3A_152, %swap3A_153] : memref<1x16xi32, #tpu.memory_space<vmem>>, vector<1x16xi32>
      tpu.vector_store %arg8[%swap3A_152, %swap3A_153], %broadcast_in_dim3A_151 {strides = array<i32>} : memref<1x16xi32, #tpu.memory_space<vmem>>, vector<1x16xi32>,
      %iota3A_155 = tpu.iota {dimensions = array<i32: 0>} : vector<512x512xi32>
      %iota3A_156 = tpu.iota {dimensions = array<i32: 1>} : vector<512x512xi32>
      %ge3A_157 = arith.cmpi sge, %iota3A_155, %iota3A_156 : vector<512x512xi32>
      %convert_element_type3A_158 = arith.extui %ge3A_157 : vector<512x512xi1> to vector<512x512xi32>
      %convert_element_type3A_159 = arith.sitofp %convert_element_type3A_158 : vector<512x512xi32> to vector<512x512xf32>
      %convert_element_type3A_160 = arith.truncf %convert_element_type3A_159 : vector<512x512xf32> to vector<512x512xbf16>
      %swap3A_161 = arith.constant 0 : index
      %swap3A_162 = arith.constant 0 : index
      %swap3A_163 = vector.load %arg9[%swap3A_161, %swap3A_162] : memref<512x512xbf16, #tpu.memory_space<vmem>>, vector<512x512xbf16>
      tpu.vector_store %arg9[%swap3A_161, %swap3A_162], %convert_element_type3A_160 {strides = array<i32>} : memref<512x512xbf16, #tpu.memory_space<vmem>>, vector<512x512xbf16>,
    } else {
    }
    %get3A = arith.constant 0 : index
    %get3A_2 = arith.constant 0 : index
    %get3A_3 = vector.load %arg1[%get3A, %get3A_2] : memref<256x1024xf32, #tpu.memory_space<vmem>>, vector<256x1024xf32>
    %get3A_4 = arith.constant 0 : index
    %get3A_5 = arith.constant 0 : index
    %get3A_6 = vector.load %arg2[%get3A_4, %get3A_5] : memref<16x1024xf32, #tpu.memory_space<vmem>>, vector<16x1024xf32>
    %dot_general3A = arith.constant dense<0.000000e+00> : vector<256x16xf32>
    %dot_general3A_7 = tpu.matmul %get3A_3, %get3A_6, %dot_general3A {dimension_numbers = #tpu.dot_dimension_numbers<[1], [1], [0], [0], [0, 0, 1, 0], [], []>, transpose_lhs_hint = false} : vector<256x1024xf32>, vector<16x1024xf32>, vector<256x16xf32> -> vector<256x16xf32>
    %reduce_max3A = arith.constant dense<0xFF800000> : vector<256xf32>
    %reduce_max3A_8 = vector.multi_reduction <maximumf>, %dot_general3A_7, %reduce_max3A [1] : vector<256x16xf32> to vector<256xf32>
    %broadcast_in_dim3A = vector.shape_cast %reduce_max3A_8 : vector<256xf32> to vector<256x1xf32>
    %sub3A = vector.broadcast %broadcast_in_dim3A : vector<256x1xf32> to vector<256x16xf32>
    %sub3A_9 = arith.subf %dot_general3A_7, %sub3A : vector<256x16xf32>
    %exp3A = math.exp %sub3A_9 : vector<256x16xf32>
    %reduce_sum3A = arith.constant dense<0.000000e+00> : vector<256xf32>
    %reduce_sum3A_10 = vector.multi_reduction <add>, %exp3A, %reduce_sum3A [1] : vector<256x16xf32> to vector<256xf32>
    %broadcast_in_dim3A_11 = vector.shape_cast %reduce_sum3A_10 : vector<256xf32> to vector<256x1xf32>
    %div3A = vector.broadcast %broadcast_in_dim3A_11 : vector<256x1xf32> to vector<256x16xf32>
    %div3A_12 = arith.divf %exp3A, %div3A : vector<256x16xf32>
    %iota3A = tpu.iota {dimensions = array<i32: 1>} : vector<256x16xi32>
    %reduce_max3A_13 = arith.constant dense<0xFF800000> : vector<256xf32>
    %reduce_max3A_14 = vector.multi_reduction <maximumf>, %div3A_12, %reduce_max3A_13 [1] : vector<256x16xf32> to vector<256xf32>
    %broadcast_in_dim3A_15 = vector.shape_cast %reduce_max3A_14 : vector<256xf32> to vector<256x1xf32>
    %eq3A_16 = vector.broadcast %broadcast_in_dim3A_15 : vector<256x1xf32> to vector<256x16xf32>
    %eq3A_17 = arith.cmpf oeq, %div3A_12, %eq3A_16 : vector<256x16xf32>
    %jit3A = arith.constant 16 : i32
    %broadcast_in_dim3A_18 = vector.broadcast %jit3A : i32 to vector<256x16xi32>
    %select_n3A = arith.select %eq3A_17, %iota3A, %broadcast_in_dim3A_18 : vector<256x16xi1>, vector<256x16xi32>
    %reduce_min3A = arith.constant dense<2147483647> : vector<256xi32>
    %reduce_min3A_19 = vector.multi_reduction <minsi>, %select_n3A, %reduce_min3A [1] : vector<256x16xi32> to vector<256xi32>
    %broadcast_in_dim3A_20 = vector.shape_cast %reduce_min3A_19 : vector<256xi32> to vector<256x1xi32>
    %eq3A_21 = vector.broadcast %broadcast_in_dim3A_20 : vector<256x1xi32> to vector<256x16xi32>
    %eq3A_22 = arith.cmpi eq, %iota3A, %eq3A_21 : vector<256x16xi32>
    %jit3A_23 = arith.constant -1.000000e+00 : f32
    %broadcast_in_dim3A_24 = vector.broadcast %jit3A_23 : f32 to vector<256x16xf32>
    %select_n3A_25 = arith.select %eq3A_22, %broadcast_in_dim3A_24, %div3A_12 : vector<256x16xi1>, vector<256x16xf32>
    %reduce_max3A_26 = arith.constant dense<0xFF800000> : vector<256xf32>
    %reduce_max3A_27 = vector.multi_reduction <maximumf>, %select_n3A_25, %reduce_max3A_26 [1] : vector<256x16xf32> to vector<256xf32>
    %broadcast_in_dim3A_28 = vector.shape_cast %reduce_max3A_27 : vector<256xf32> to vector<256x1xf32>
    %eq3A_29 = vector.broadcast %broadcast_in_dim3A_28 : vector<256x1xf32> to vector<256x16xf32>
    %eq3A_30 = arith.cmpf oeq, %select_n3A_25, %eq3A_29 : vector<256x16xf32>
    %jit3A_31 = arith.constant 16 : i32
    %broadcast_in_dim3A_32 = vector.broadcast %jit3A_31 : i32 to vector<256x16xi32>
    %select_n3A_33 = arith.select %eq3A_30, %iota3A, %broadcast_in_dim3A_32 : vector<256x16xi1>, vector<256x16xi32>
    %reduce_min3A_34 = arith.constant dense<2147483647> : vector<256xi32>
    %reduce_min3A_35 = vector.multi_reduction <minsi>, %select_n3A_33, %reduce_min3A_34 [1] : vector<256x16xi32> to vector<256xi32>
    %broadcast_in_dim3A_36 = vector.shape_cast %reduce_min3A_35 : vector<256xi32> to vector<256x1xi32>
    %add3A = arith.addf %broadcast_in_dim3A_15, %broadcast_in_dim3A_28 : vector<256x1xf32>
    %add3A_37 = arith.constant 9.99999971E-10 : f32
    %add3A_38 = vector.broadcast %add3A_37 : f32 to vector<256x1xf32>
    %add3A_39 = arith.addf %add3A, %add3A_38 : vector<256x1xf32>
    %div3A_40 = arith.divf %broadcast_in_dim3A_15, %add3A_39 : vector<256x1xf32>
    %broadcast_in_dim3A_41 = vector.shape_cast %div3A_40 : vector<256x1xf32> to vector<256x1xf32>
    %broadcast_in_dim3A_42 = vector.broadcast %broadcast_in_dim3A_41 : vector<256x1xf32> to vector<256x8xf32>
    %swap3A = arith.constant 0 : index
    %swap3A_43 = arith.constant 0 : index
    %swap3A_44 = vector.load %arg3[%swap3A, %swap3A_43] : memref<256x8xf32, #tpu.memory_space<vmem>>, vector<256x8xf32>
    tpu.vector_store %arg3[%swap3A, %swap3A_43], %broadcast_in_dim3A_42 {strides = array<i32>} : memref<256x8xf32, #tpu.memory_space<vmem>>, vector<256x8xf32>,
    %div3A_45 = arith.divf %broadcast_in_dim3A_28, %add3A_39 : vector<256x1xf32>
    %broadcast_in_dim3A_46 = vector.shape_cast %div3A_45 : vector<256x1xf32> to vector<256x1xf32>
    %broadcast_in_dim3A_47 = vector.broadcast %broadcast_in_dim3A_46 : vector<256x1xf32> to vector<256x8xf32>
    %swap3A_48 = arith.constant 0 : index
    %swap3A_49 = arith.constant 0 : index
    %swap3A_50 = vector.load %arg4[%swap3A_48, %swap3A_49] : memref<256x8xf32, #tpu.memory_space<vmem>>, vector<256x8xf32>
    tpu.vector_store %arg4[%swap3A_48, %swap3A_49], %broadcast_in_dim3A_47 {strides = array<i32>} : memref<256x8xf32, #tpu.memory_space<vmem>>, vector<256x8xf32>,
    %iota3A_51 = tpu.iota {dimensions = array<i32: 1>} : vector<256x16xi32>
    %eq3A_52 = vector.broadcast %broadcast_in_dim3A_20 : vector<256x1xi32> to vector<256x16xi32>
    %eq3A_53 = arith.cmpi eq, %iota3A_51, %eq3A_52 : vector<256x16xi32>
    %convert_element_type3A_54 = arith.extui %eq3A_53 : vector<256x16xi1> to vector<256x16xi32>
    %convert_element_type3A_55 = arith.sitofp %convert_element_type3A_54 : vector<256x16xi32> to vector<256x16xf32>
    %iota3A_56 = tpu.iota {dimensions = array<i32: 1>} : vector<256x16xi32>
    %eq3A_57 = vector.broadcast %broadcast_in_dim3A_36 : vector<256x1xi32> to vector<256x16xi32>
    %eq3A_58 = arith.cmpi eq, %iota3A_56, %eq3A_57 : vector<256x16xi32>
    %convert_element_type3A_59 = arith.extui %eq3A_58 : vector<256x16xi1> to vector<256x16xi32>
    %convert_element_type3A_60 = arith.sitofp %convert_element_type3A_59 : vector<256x16xi32> to vector<256x16xf32>
    %concatenate3A = tpu.concatenate %convert_element_type3A_55, %convert_element_type3A_60 in 0 : vector<256x16xf32>, vector<256x16xf32> -> vector<512x16xf32>
    %convert_element_type3A_61 = arith.truncf %concatenate3A : vector<512x16xf32> to vector<512x16xbf16>
    %get3A_62 = arith.constant 0 : index
    %get3A_63 = arith.constant 0 : index
    %get3A_64 = vector.load %arg9[%get3A_62, %get3A_63] : memref<512x512xbf16, #tpu.memory_space<vmem>>, vector<512x512xbf16>
    %dot_general3A_65 = arith.constant dense<0.000000e+00> : vector<512x16xf32>
    %dot_general3A_66 = tpu.matmul %get3A_64, %convert_element_type3A_61, %dot_general3A_65 {dimension_numbers = #tpu.dot_dimension_numbers<[1], [0], [0], [1], [0, 0, 1, 1], [], []>, transpose_lhs_hint = false} : vector<512x512xbf16>, vector<512x16xbf16>, vector<512x16xf32> -> vector<512x16xf32>
    %get3A_67 = arith.constant 0 : index
    %get3A_68 = arith.constant 0 : index
    %get3A_69 = vector.load %arg8[%get3A_67, %get3A_68] : memref<1x16xi32, #tpu.memory_space<vmem>>, vector<1x16xi32>
    %convert_element_type3A_70 = arith.sitofp %get3A_69 : vector<1x16xi32> to vector<1x16xf32>
    %add3A_71 = vector.broadcast %convert_element_type3A_70 : vector<1x16xf32> to vector<512x16xf32>
    %add3A_72 = arith.addf %dot_general3A_66, %add3A_71 : vector<512x16xf32>
    %mul3A = arith.mulf %add3A_72, %concatenate3A : vector<512x16xf32>
    %reduce_sum3A_73 = arith.constant dense<0.000000e+00> : vector<512xf32>
    %reduce_sum3A_74 = vector.multi_reduction <add>, %mul3A, %reduce_sum3A_73 [1] : vector<512x16xf32> to vector<512xf32>
    %broadcast_in_dim3A_75 = vector.shape_cast %reduce_sum3A_74 : vector<512xf32> to vector<512x1xf32>
    %sub3A_76 = arith.constant 1.000000e+00 : f32
    %sub3A_77 = vector.broadcast %sub3A_76 : f32 to vector<512x1xf32>
    %sub3A_78 = arith.subf %broadcast_in_dim3A_75, %sub3A_77 : vector<512x1xf32>
    %convert_element_type3A_79 = arith.fptosi %sub3A_78 : vector<512x1xf32> to vector<512x1xi32>
    %slice3A = vector.extract_strided_slice %convert_element_type3A_79 {offsets = [0, 0], sizes = [256, 1], strides = [1, 1]} : vector<512x1xi32> to vector<256x1xi32>
    %slice3A_80 = vector.extract_strided_slice %convert_element_type3A_79 {offsets = [256, 0], sizes = [256, 1], strides = [1, 1]} : vector<512x1xi32> to vector<256x1xi32>
    %iota3A_81 = tpu.iota {dimensions = array<i32: 1>} : vector<256x128xi32>
    %lt3A = arith.constant 8 : i32
    %lt3A_82 = vector.broadcast %lt3A : i32 to vector<256x128xi32>
    %lt3A_83 = arith.cmpi slt, %iota3A_81, %lt3A_82 : vector<256x128xi32>
    %broadcast_in_dim3A_84 = vector.shape_cast %broadcast_in_dim3A_20 : vector<256x1xi32> to vector<256x1xi32>
    %broadcast_in_dim3A_85 = vector.broadcast %broadcast_in_dim3A_84 : vector<256x1xi32> to vector<256x128xi32>
    %lt3A_86 = arith.constant 16 : i32
    %lt3A_87 = vector.broadcast %lt3A_86 : i32 to vector<256x128xi32>
    %lt3A_88 = arith.cmpi slt, %iota3A_81, %lt3A_87 : vector<256x128xi32>
    %broadcast_in_dim3A_89 = vector.shape_cast %broadcast_in_dim3A_36 : vector<256x1xi32> to vector<256x1xi32>
    %broadcast_in_dim3A_90 = vector.broadcast %broadcast_in_dim3A_89 : vector<256x1xi32> to vector<256x128xi32>
    %lt3A_91 = arith.constant 24 : i32
    %lt3A_92 = vector.broadcast %lt3A_91 : i32 to vector<256x128xi32>
    %lt3A_93 = arith.cmpi slt, %iota3A_81, %lt3A_92 : vector<256x128xi32>
    %broadcast_in_dim3A_94 = vector.shape_cast %slice3A : vector<256x1xi32> to vector<256x1xi32>
    %broadcast_in_dim3A_95 = vector.broadcast %broadcast_in_dim3A_94 : vector<256x1xi32> to vector<256x128xi32>
    %broadcast_in_dim3A_96 = vector.shape_cast %slice3A_80 : vector<256x1xi32> to vector<256x1xi32>
    %broadcast_in_dim3A_97 = vector.broadcast %broadcast_in_dim3A_96 : vector<256x1xi32> to vector<256x128xi32>
    %select_n3A_98 = arith.select %lt3A_93, %broadcast_in_dim3A_95, %broadcast_in_dim3A_97 : vector<256x128xi1>, vector<256x128xi32>
    %select_n3A_99 = arith.select %lt3A_88, %broadcast_in_dim3A_90, %select_n3A_98 : vector<256x128xi1>, vector<256x128xi32>
    %select_n3A_100 = arith.select %lt3A_83, %broadcast_in_dim3A_85, %select_n3A_99 : vector<256x128xi1>, vector<256x128xi32>
    %swap3A_101 = arith.constant 0 : index
    %swap3A_102 = arith.constant 0 : index
    %swap3A_103 = vector.load %arg5[%swap3A_101, %swap3A_102] : memref<256x128xi32, #tpu.memory_space<vmem>>, vector<256x128xi32>
    tpu.vector_store %arg5[%swap3A_101, %swap3A_102], %select_n3A_100 {strides = array<i32>} : memref<256x128xi32, #tpu.memory_space<vmem>>, vector<256x128xi32>,
    %get3A_104 = arith.constant 0 : index
    %get3A_105 = arith.constant 0 : index
    %get3A_106 = vector.load %arg8[%get3A_104, %get3A_105] : memref<1x16xi32, #tpu.memory_space<vmem>>, vector<1x16xi32>
    %reduce_sum3A_107 = arith.constant dense<0.000000e+00> : vector<16xf32>
    %reduce_sum3A_108 = vector.multi_reduction <add>, %concatenate3A, %reduce_sum3A_107 [0] : vector<512x16xf32> to vector<16xf32>
    %broadcast_in_dim3A_109 = vector.shape_cast %reduce_sum3A_108 : vector<16xf32> to vector<1x16xf32>
    %convert_element_type3A_110 = arith.fptosi %broadcast_in_dim3A_109 : vector<1x16xf32> to vector<1x16xi32>
    %add3A_111 = arith.addi %get3A_106, %convert_element_type3A_110 : vector<1x16xi32>
    %swap3A_112 = arith.constant 0 : index
    %swap3A_113 = arith.constant 0 : index
    %swap3A_114 = vector.load %arg8[%swap3A_112, %swap3A_113] : memref<1x16xi32, #tpu.memory_space<vmem>>, vector<1x16xi32>
    tpu.vector_store %arg8[%swap3A_112, %swap3A_113], %add3A_111 {strides = array<i32>} : memref<1x16xi32, #tpu.memory_space<vmem>>, vector<1x16xi32>,
    %swap3A_115 = arith.constant 0 : index
    %swap3A_116 = arith.constant 0 : index
    %swap3A_117 = vector.load %arg7[%swap3A_115, %swap3A_116] : memref<1x16xi32, #tpu.memory_space<vmem>>, vector<1x16xi32>
    tpu.vector_store %arg7[%swap3A_115, %swap3A_116], %add3A_111 {strides = array<i32>} : memref<1x16xi32, #tpu.memory_space<vmem>>, vector<1x16xi32>,
    %add3A_118 = arith.constant 255 : i32
    %add3A_119 = vector.broadcast %add3A_118 : i32 to vector<1x16xi32>
    %add3A_120 = arith.addi %add3A_111, %add3A_119 : vector<1x16xi32>
    %shift_right_logical3A = arith.constant 8 : i32
    %shift_right_logical3A_121 = vector.broadcast %shift_right_logical3A : i32 to vector<1x16xi32>
    %shift_right_logical3A_122 = arith.shrui %add3A_120, %shift_right_logical3A_121 : vector<1x16xi32>
    %shift_left3A = arith.constant 8 : i32
    %shift_left3A_123 = vector.broadcast %shift_left3A : i32 to vector<1x16xi32>
    %shift_left3A_124 = arith.shli %shift_right_logical3A_122, %shift_left3A_123 : vector<1x16xi32>
    %convert_element_type3A_125 = arith.sitofp %shift_left3A_124 : vector<1x16xi32> to vector<1x16xf32>
    %iota3A_126 = tpu.iota {dimensions = array<i32: 0>} : vector<16x16xi32>
    %iota3A_127 = tpu.iota {dimensions = array<i32: 1>} : vector<16x16xi32>
    %le3A = arith.cmpi sle, %iota3A_126, %iota3A_127 : vector<16x16xi32>
    %convert_element_type3A_128 = arith.extui %le3A : vector<16x16xi1> to vector<16x16xi32>
    %convert_element_type3A_129 = arith.sitofp %convert_element_type3A_128 : vector<16x16xi32> to vector<16x16xf32>
    %dot_general3A_130 = arith.constant dense<0.000000e+00> : vector<1x16xf32>
    %dot_general3A_131 = tpu.matmul %convert_element_type3A_125, %convert_element_type3A_129, %dot_general3A_130 {dimension_numbers = #tpu.dot_dimension_numbers<[1], [0], [0], [1], [0, 0, 1, 1], [], []>, transpose_lhs_hint = false} : vector<1x16xf32>, vector<16x16xf32>, vector<1x16xf32> -> vector<1x16xf32>
    %iota3A_132 = tpu.iota {dimensions = array<i32: 0>} : vector<32x16xi32>
    %mul3A_133 = arith.constant 256 : i32
    %mul3A_134 = vector.broadcast %mul3A_133 : i32 to vector<32x16xi32>
    %mul3A_135 = arith.muli %iota3A_132, %mul3A_134 : vector<32x16xi32>
    %convert_element_type3A_136 = arith.fptosi %dot_general3A_131 : vector<1x16xf32> to vector<1x16xi32>
    %broadcast_in_dim3A_137 = vector.shape_cast %convert_element_type3A_136 : vector<1x16xi32> to vector<1x16xi32>
    %broadcast_in_dim3A_138 = vector.broadcast %broadcast_in_dim3A_137 : vector<1x16xi32> to vector<32x16xi32>
    %ge3A = arith.cmpi sge, %mul3A_135, %broadcast_in_dim3A_138 : vector<32x16xi32>
    %convert_element_type3A_139 = arith.extui %ge3A : vector<32x16xi1> to vector<32x16xi32>
    %reduce_sum3A_140 = arith.constant dense<0> : vector<32xi32>
    %reduce_sum3A_141 = vector.multi_reduction <add>, %convert_element_type3A_139, %reduce_sum3A_140 [1] : vector<32x16xi32> to vector<32xi32>
    %broadcast_in_dim3A_142 = vector.shape_cast %reduce_sum3A_141 : vector<32xi32> to vector<32x1xi32>
    %min3A = arith.constant 15 : i32
    %min3A_143 = vector.broadcast %min3A : i32 to vector<32x1xi32>
    %min3A_144 = arith.minsi %broadcast_in_dim3A_142, %min3A_143 : vector<32x1xi32>
    %broadcast_in_dim3A_145 = vector.shape_cast %min3A_144 : vector<32x1xi32> to vector<32x1xi32>
    %broadcast_in_dim3A_146 = vector.broadcast %broadcast_in_dim3A_145 : vector<32x1xi32> to vector<32x8xi32>
    %swap3A_147 = arith.constant 0 : index
    %swap3A_148 = arith.constant 0 : index
    %swap3A_149 = vector.load %arg6[%swap3A_147, %swap3A_148] : memref<32x8xi32, #tpu.memory_space<vmem>>, vector<32x8xi32>
    tpu.vector_store %arg6[%swap3A_147, %swap3A_148], %broadcast_in_dim3A_146 {strides = array<i32>} : memref<32x8xi32, #tpu.memory_space<vmem>>, vector<32x8xi32>,
    return
  }
  func.func @transform_0(%arg0: i32) -> (i32, i32) {
    %c0_i32 = arith.constant 0 : i32
    %c0_i32_0 = arith.constant 0 : i32
    return %arg0, %c0_i32 : i32, i32
  }
  func.func @transform_1(%arg0: i32) -> (i32, i32) {
    %c0_i32 = arith.constant 0 : i32
    %c0_i32_0 = arith.constant 0 : i32
    %c0_i32_1 = arith.constant 0 : i32
    return %c0_i32, %c0_i32_0 : i32, i32
  }
  func.func @transform_2(%arg0: i32) -> (i32, i32) {
    %c0_i32 = arith.constant 0 : i32
    %c0_i32_0 = arith.constant 0 : i32
    return %arg0, %c0_i32 : i32, i32
  }
  func.func @transform_3(%arg0: i32) -> (i32, i32) {
    %c0_i32 = arith.constant 0 : i32
    %c0_i32_0 = arith.constant 0 : i32
    return %arg0, %c0_i32 : i32, i32
  }
  func.func @transform_4(%arg0: i32) -> (i32, i32) {
    %c0_i32 = arith.constant 0 : i32
    %c0_i32_0 = arith.constant 0 : i32
    return %arg0, %c0_i32 : i32, i32
  }
  func.func @transform_5(%arg0: i32) -> (i32, i32) {
    %c0_i32 = arith.constant 0 : i32
    %c0_i32_0 = arith.constant 0 : i32
    %c0_i32_1 = arith.constant 0 : i32
    return %c0_i32, %c0_i32_0 : i32, i32
  }
  func.func @transform_6(%arg0: i32) -> (i32, i32) {
    %c0_i32 = arith.constant 0 : i32
    %c0_i32_0 = arith.constant 0 : i32
    %c0_i32_1 = arith.constant 0 : i32
    return %c0_i32, %c0_i32_0 : i32, i32
  }
}

module attributes {stable_mosaic.version = 14 : i64} {
  func.func @_combine_body(%arg0: i32, %arg1: memref<256x1024xf32, #tpu.memory_space<vmem>>, %arg2: memref<256x1024xf32, #tpu.memory_space<vmem>>, %arg3: memref<256x1024xf32, #tpu.memory_space<vmem>>, %arg4: memref<256x8xf32, #tpu.memory_space<vmem>>, %arg5: memref<256x8xf32, #tpu.memory_space<vmem>>, %arg6: memref<256x1024xf32, #tpu.memory_space<vmem>>) attributes {dimension_semantics = [#tpu.dimension_semantics<arbitrary>], iteration_bounds = array<i64: 4>, scalar_prefetch = 0 : i64, scratch_operands = 0 : i64, tpu.core_type = #tpu.core_type<tc>, window_params = [{transform_indices = @transform_0, window_bounds = array<i64: 256, 1024>}, {transform_indices = @transform_1, window_bounds = array<i64: 256, 1024>}, {transform_indices = @transform_2, window_bounds = array<i64: 256, 1024>}, {transform_indices = @transform_3, window_bounds = array<i64: 256, 8>}, {transform_indices = @transform_4, window_bounds = array<i64: 256, 8>}, {transform_indices = @transform_5, window_bounds = array<i64: 256, 1024>}]} {
    %get3A = arith.constant 0 : index
    %get3A_0 = arith.constant 0 : index
    %get3A_1 = vector.load %arg1[%get3A, %get3A_0] : memref<256x1024xf32, #tpu.memory_space<vmem>>, vector<256x1024xf32>
    %get3A_2 = arith.constant 0 : index
    %get3A_3 = arith.constant 0 : index
    %get3A_4 = vector.load %arg4[%get3A_2, %get3A_3] : memref<256x8xf32, #tpu.memory_space<vmem>>, vector<256x1xf32>
    %get3A_5 = arith.constant 0 : index
    %get3A_6 = arith.constant 0 : index
    %get3A_7 = vector.load %arg2[%get3A_5, %get3A_6] : memref<256x1024xf32, #tpu.memory_space<vmem>>, vector<256x1024xf32>
    %mul3A = vector.broadcast %get3A_4 : vector<256x1xf32> to vector<256x1024xf32>
    %mul3A_8 = arith.mulf %mul3A, %get3A_7 : vector<256x1024xf32>
    %add3A = arith.addf %get3A_1, %mul3A_8 : vector<256x1024xf32>
    %get3A_9 = arith.constant 0 : index
    %get3A_10 = arith.constant 0 : index
    %get3A_11 = vector.load %arg5[%get3A_9, %get3A_10] : memref<256x8xf32, #tpu.memory_space<vmem>>, vector<256x1xf32>
    %get3A_12 = arith.constant 0 : index
    %get3A_13 = arith.constant 0 : index
    %get3A_14 = vector.load %arg3[%get3A_12, %get3A_13] : memref<256x1024xf32, #tpu.memory_space<vmem>>, vector<256x1024xf32>
    %mul3A_15 = vector.broadcast %get3A_11 : vector<256x1xf32> to vector<256x1024xf32>
    %mul3A_16 = arith.mulf %mul3A_15, %get3A_14 : vector<256x1024xf32>
    %add3A_17 = arith.addf %add3A, %mul3A_16 : vector<256x1024xf32>
    %swap3A = arith.constant 0 : index
    %swap3A_18 = arith.constant 0 : index
    %swap3A_19 = vector.load %arg6[%swap3A, %swap3A_18] : memref<256x1024xf32, #tpu.memory_space<vmem>>, vector<256x1024xf32>
    tpu.vector_store %arg6[%swap3A, %swap3A_18], %add3A_17 {strides = array<i32>} : memref<256x1024xf32, #tpu.memory_space<vmem>>, vector<256x1024xf32>,
    return
  }
  func.func @transform_0(%arg0: i32) -> (i32, i32) {
    %c0_i32 = arith.constant 0 : i32
    %c0_i32_0 = arith.constant 0 : i32
    return %arg0, %c0_i32 : i32, i32
  }
  func.func @transform_1(%arg0: i32) -> (i32, i32) {
    %add3A = arith.constant 0 : i32
    %add3A_0 = arith.addi %add3A, %arg0 : i32
    %c0_i32 = arith.constant 0 : i32
    %c0_i32_1 = arith.constant 0 : i32
    return %add3A_0, %c0_i32 : i32, i32
  }
  func.func @transform_2(%arg0: i32) -> (i32, i32) {
    %add3A = arith.constant 8 : i32
    %add3A_0 = arith.addi %add3A, %arg0 : i32
    %c0_i32 = arith.constant 0 : i32
    %c0_i32_1 = arith.constant 0 : i32
    return %add3A_0, %c0_i32 : i32, i32
  }
  func.func @transform_3(%arg0: i32) -> (i32, i32) {
    %add3A = arith.constant 0 : i32
    %add3A_0 = arith.addi %add3A, %arg0 : i32
    %c0_i32 = arith.constant 0 : i32
    %c0_i32_1 = arith.constant 0 : i32
    return %add3A_0, %c0_i32 : i32, i32
  }
  func.func @transform_4(%arg0: i32) -> (i32, i32) {
    %add3A = arith.constant 0 : i32
    %add3A_0 = arith.addi %add3A, %arg0 : i32
    %c0_i32 = arith.constant 0 : i32
    %c0_i32_1 = arith.constant 0 : i32
    return %add3A_0, %c0_i32 : i32, i32
  }
  func.func @transform_5(%arg0: i32) -> (i32, i32) {
    %c0_i32 = arith.constant 0 : i32
    %c0_i32_0 = arith.constant 0 : i32
    return %arg0, %c0_i32 : i32, i32
  }
}

module attributes {stable_mosaic.version = 14 : i64} {
  func.func @_combine_body(%arg0: i32, %arg1: memref<256x1024xf32, #tpu.memory_space<vmem>>, %arg2: memref<256x1024xf32, #tpu.memory_space<vmem>>, %arg3: memref<256x1024xf32, #tpu.memory_space<vmem>>, %arg4: memref<256x8xf32, #tpu.memory_space<vmem>>, %arg5: memref<256x8xf32, #tpu.memory_space<vmem>>, %arg6: memref<256x1024xf32, #tpu.memory_space<vmem>>) attributes {dimension_semantics = [#tpu.dimension_semantics<arbitrary>], iteration_bounds = array<i64: 4>, scalar_prefetch = 0 : i64, scratch_operands = 0 : i64, tpu.core_type = #tpu.core_type<tc>, window_params = [{transform_indices = @transform_0, window_bounds = array<i64: 256, 1024>}, {transform_indices = @transform_1, window_bounds = array<i64: 256, 1024>}, {transform_indices = @transform_2, window_bounds = array<i64: 256, 1024>}, {transform_indices = @transform_3, window_bounds = array<i64: 256, 8>}, {transform_indices = @transform_4, window_bounds = array<i64: 256, 8>}, {transform_indices = @transform_5, window_bounds = array<i64: 256, 1024>}]} {
    %get3A = arith.constant 0 : index
    %get3A_0 = arith.constant 0 : index
    %get3A_1 = vector.load %arg1[%get3A, %get3A_0] : memref<256x1024xf32, #tpu.memory_space<vmem>>, vector<256x1024xf32>
    %get3A_2 = arith.constant 0 : index
    %get3A_3 = arith.constant 0 : index
    %get3A_4 = vector.load %arg4[%get3A_2, %get3A_3] : memref<256x8xf32, #tpu.memory_space<vmem>>, vector<256x1xf32>
    %get3A_5 = arith.constant 0 : index
    %get3A_6 = arith.constant 0 : index
    %get3A_7 = vector.load %arg2[%get3A_5, %get3A_6] : memref<256x1024xf32, #tpu.memory_space<vmem>>, vector<256x1024xf32>
    %mul3A = vector.broadcast %get3A_4 : vector<256x1xf32> to vector<256x1024xf32>
    %mul3A_8 = arith.mulf %mul3A, %get3A_7 : vector<256x1024xf32>
    %add3A = arith.addf %get3A_1, %mul3A_8 : vector<256x1024xf32>
    %get3A_9 = arith.constant 0 : index
    %get3A_10 = arith.constant 0 : index
    %get3A_11 = vector.load %arg5[%get3A_9, %get3A_10] : memref<256x8xf32, #tpu.memory_space<vmem>>, vector<256x1xf32>
    %get3A_12 = arith.constant 0 : index
    %get3A_13 = arith.constant 0 : index
    %get3A_14 = vector.load %arg3[%get3A_12, %get3A_13] : memref<256x1024xf32, #tpu.memory_space<vmem>>, vector<256x1024xf32>
    %mul3A_15 = vector.broadcast %get3A_11 : vector<256x1xf32> to vector<256x1024xf32>
    %mul3A_16 = arith.mulf %mul3A_15, %get3A_14 : vector<256x1024xf32>
    %add3A_17 = arith.addf %add3A, %mul3A_16 : vector<256x1024xf32>
    %swap3A = arith.constant 0 : index
    %swap3A_18 = arith.constant 0 : index
    %swap3A_19 = vector.load %arg6[%swap3A, %swap3A_18] : memref<256x1024xf32, #tpu.memory_space<vmem>>, vector<256x1024xf32>
    tpu.vector_store %arg6[%swap3A, %swap3A_18], %add3A_17 {strides = array<i32>} : memref<256x1024xf32, #tpu.memory_space<vmem>>, vector<256x1024xf32>,
    return
  }
  func.func @transform_0(%arg0: i32) -> (i32, i32) {
    %c0_i32 = arith.constant 0 : i32
    %c0_i32_0 = arith.constant 0 : i32
    return %arg0, %c0_i32 : i32, i32
  }
  func.func @transform_1(%arg0: i32) -> (i32, i32) {
    %add3A = arith.constant 4 : i32
    %add3A_0 = arith.addi %add3A, %arg0 : i32
    %c0_i32 = arith.constant 0 : i32
    %c0_i32_1 = arith.constant 0 : i32
    return %add3A_0, %c0_i32 : i32, i32
  }
  func.func @transform_2(%arg0: i32) -> (i32, i32) {
    %add3A = arith.constant 12 : i32
    %add3A_0 = arith.addi %add3A, %arg0 : i32
    %c0_i32 = arith.constant 0 : i32
    %c0_i32_1 = arith.constant 0 : i32
    return %add3A_0, %c0_i32 : i32, i32
  }
  func.func @transform_3(%arg0: i32) -> (i32, i32) {
    %add3A = arith.constant 4 : i32
    %add3A_0 = arith.addi %add3A, %arg0 : i32
    %c0_i32 = arith.constant 0 : i32
    %c0_i32_1 = arith.constant 0 : i32
    return %add3A_0, %c0_i32 : i32, i32
  }
  func.func @transform_4(%arg0: i32) -> (i32, i32) {
    %add3A = arith.constant 4 : i32
    %add3A_0 = arith.addi %add3A, %arg0 : i32
    %c0_i32 = arith.constant 0 : i32
    %c0_i32_1 = arith.constant 0 : i32
    return %add3A_0, %c0_i32 : i32, i32
  }
  func.func @transform_5(%arg0: i32) -> (i32, i32) {
    %c0_i32 = arith.constant 0 : i32
    %c0_i32_0 = arith.constant 0 : i32
    return %arg0, %c0_i32 : i32, i32
  }
}

</mosaic_0001>

<sc_bundles>
// kernel: kernel.10.cloned.1.call-start
scs
__scs_entry_jumppad:
0x0: {  	(pc) =	sbr.rel $0x88, $3  }
0x1: {  	(tag) =	ssettag $0x0;
	lr =	simm.s32 $0x1  }
0x2: {  	[smem:$0x3F99] =	sst lr;
	_ =	strace $0xD0000000  }
0x3: {  	_ = 	snop  }
0x4: {  	_ = 	snop  }
0x5: {  	_ = 	snop  }
0x6: {  	_ = 	snop  }
0x7: {  	_ = 	snop  }
__scs_overlays_trampoline_lowered:
0x8: {  	[smem:$0x3FA8] =	sst s0  }
0x9: {  	[smem:$0x3FA9] =	sst s1  }
0xa: {  	[smem:$0x3FAA] =	sst s2  }
0xb: {  	[smem:$0x3FAB] =	sst s3  }
0xc: {  	[smem:$0x3FAC] =	sst s4  }
0xd: {  	[smem:$0x3FAD] =	sst s5  }
0xe: {  	[smem:$0x3FAE] =	sst s6  }
0xf: {  	[smem:$0x3FAF] =	sst s7  }
0x10: {  	[smem:$0x3FB0] =	sst s8  }
0x11: {  	[smem:$0x3FB1] =	sst s9;
	s0 =	simm.s32 @!p0 $0x0  }
0x12: {  	s1 =	sld [smem:$0x3F97];
	s0 =	simm.s32 @p0 $0x1  }
0x13: {  	[smem:$0x3FB2] =	sst s0;
	s0 =	simm.s32 @!p1 $0x0  }
0x14: {  	s2 =	sld [smem:$0x3F96];
	s0 =	simm.s32 @p1 $0x1  }
0x15: {  	[smem:$0x3FB3] =	sst s0;
	s0 =	simm.s32 @!p2 $0x0  }
0x16: {  	s3 =	sld [smem:$0x3FDB];
	s0 =	simm.s32 @p2 $0x1  }
0x17: {  	s4 =	simm.s32 $0x1BF5;
	[smem:$0x3FB5] =	sst s0  }
0x18: {  	s0 =	sld [smem:$0x3F98];
	_ =	swait.ge [sflag:s4], $0x0  }
0x19: {  	s7 =	sld [smem:$0x3F99]  }
0x1a: {  	s8 =	sadd.s32 $0xFFFFE003, lr  }
0x1b: {  	s9 =	sadd.s32 $0xFFFFFEF7, lr;
	s5 =	simm.s32 $0xFFFFFFFF;
	p2 =	slt.u32 s8, $0xFFFFF086  }
0x1c: {  	p1 =	slt.u32 s9, $0xF7A;
	s5 =	simm.s32 @!p2 $0x0  }
0x1d: {  	s5 =	simm.s32 @p1 $0x1;
	p0 =	seq.s32 s7, s2  }
0x1e: {  	s7 =	smul.u32 @!p0 $0xF7A, s2;
	p2 =	seq.s32 @!p0 s5, $0x0  }
0x1f: {  	s9 =	smul.u32 $0xF7A, s1;
	s8 =	simm.s32 @!p0 $0x1BF5;
	p2 =	por !p2, p0  }
0x20: {  	[sflag:s8] =	ssyncset.s32 @!p0 $0xFFFFF086;
	s6 =	sadd.s32 @!p0 s3, s7;
	s7 =	simm.s32 @!p0 $0x108  }
0x21: {  	s3 =	sadd.s32 s3, s9;
	s6 =	sadd.s32 @!p0 $0x88, s6;
	s7 =	simm.s32 @p2 $0x1082  }
0x22: {  	[simem:s7], [sflag:s8] =	dma.local @!p0 [hbm:s6], $0xF7A  }
0x23: {  	s9 =	sor.u32 $0xD0000000, s2;
	s6 =	simm.s32 $0x108;
	_ =	swait.ge @!p0 [sflag:s8], $0x0  }
0x24: {  	s3 =	sadd.s32 $0x88, s3;
	s6 =	simm.s32 @!p1 $0x1082;
	[sflag:s4] =	ssyncset.s32 $0xFFFFF086  }
0x25: {  	[simem:s6], [sflag:s4] =	dma.local [hbm:s3], $0xF7A  }
0x26: {  	[smem:$0x3F99] =	sst s1;
	(tag) =	ssettag s2;
	_ =	strace s9  }
0x27: {  	s1 =	sld [smem:$0x3FA9]  }
0x28: {  	s2 =	sld [smem:$0x3FAA]  }
0x29: {  	s4 =	sld [smem:$0x3FAC]  }
0x2a: {  	p0 =	seq.s32 s5, $0x0;
	s5 =	sld [smem:$0x3FAD]  }
0x2b: {  	s6 =	sld [smem:$0x3FAE]  }
0x2c: {  	s7 =	sld [smem:$0x3FAF]  }
0x2d: {  	s3 =	simm.s32 $0x108;
	s8 =	sld [smem:$0x3FB0]  }
0x2e: {  	s3 =	simm.s32 @!p0 $0x1082;
	s9 =	sld [smem:$0x3FB1]  }
0x2f: {  	lr =	sadd.s32 s0, s3;
	s0 =	sld [smem:$0x3FA8]  }
0x30: {  	s3 =	sld [smem:$0x3FAB]  }
0x31: {  	[smem:$0x3FB4] =	sst s10  }
0x32: {  	s10 =	sld [smem:$0x3FB2];
	_ =	sdelay $0x3  }
0x33: {  	p0 =	seq.s32 s10, $0x1;
	s10 =	sld [smem:$0x3FB4];
	_ =	sdelay $0x3  }
0x34: {  	[smem:$0x3FB4] =	sst s10  }
0x35: {  	s10 =	sld [smem:$0x3FB3];
	_ =	sdelay $0x3  }
0x36: {  	p1 =	seq.s32 s10, $0x1;
	s10 =	sld [smem:$0x3FB4];
	_ =	sdelay $0x3  }
0x37: {  	[smem:$0x3FB4] =	sst s10  }
0x38: {  	s10 =	sld [smem:$0x3FB5]  }
0x39: {  	_ = 	snop;
	(pc) =	sbr.ind lr, $3  }
0x3a: {  	_ = 	snop  }
0x3b: {  	_ = 	snop  }
0x3c: {  	p2 =	seq.s32 s10, $0x1;
	s10 =	sld [smem:$0x3FB4]  }
0x3d: {  	_ =	shalt  }
0x3e: {  	_ =	shalt  }
0x3f: {  	_ =	shalt  }
0x40: {  	_ =	shalt  }
0x41: {  	_ =	shalt  }
0x42: {  	_ =	shalt  }
0x43: {  	_ =	shalt  }
0x44: {  	_ =	shalt  }
0x45: {  	_ =	shalt  }
0x46: {  	_ =	shalt  }
0x47: {  	_ =	shalt  }
0x48: {  	_ =	shalt  }
0x49: {  	_ =	shalt  }
0x4a: {  	_ =	shalt  }
0x4b: {  	_ =	shalt  }
0x4c: {  	_ =	shalt  }
0x4d: {  	_ =	shalt  }
0x4e: {  	_ =	shalt  }
0x4f: {  	_ =	shalt  }
0x50: {  	_ =	shalt  }
0x51: {  	_ =	shalt  }
0x52: {  	_ =	shalt  }
0x53: {  	_ =	shalt  }
0x54: {  	_ =	shalt  }
0x55: {  	_ =	shalt  }
0x56: {  	_ =	shalt  }
0x57: {  	_ =	shalt  }
0x58: {  	_ =	shalt  }
0x59: {  	_ =	shalt  }
0x5a: {  	_ =	shalt  }
0x5b: {  	_ =	shalt  }
0x5c: {  	_ =	shalt  }
0x5d: {  	_ =	shalt  }
0x5e: {  	_ =	shalt  }
0x5f: {  	_ =	shalt  }
0x60: {  	_ =	shalt  }
0x61: {  	_ =	shalt  }
0x62: {  	_ =	shalt  }
0x63: {  	_ =	shalt  }
0x64: {  	_ =	shalt  }
0x65: {  	_ =	shalt  }
0x66: {  	_ =	shalt  }
0x67: {  	_ =	shalt  }
0x68: {  	_ =	shalt  }
0x69: {  	_ =	shalt  }
0x6a: {  	_ =	shalt  }
0x6b: {  	_ =	shalt  }
0x6c: {  	_ =	shalt  }
0x6d: {  	_ =	shalt  }
0x6e: {  	_ =	shalt  }
0x6f: {  	_ =	shalt  }
0x70: {  	_ =	shalt  }
0x71: {  	_ =	shalt  }
0x72: {  	_ =	shalt  }
0x73: {  	_ =	shalt  }
0x74: {  	_ =	shalt  }
0x75: {  	_ =	shalt  }
0x76: {  	_ =	shalt  }
0x77: {  	_ =	shalt  }
0x78: {  	_ =	shalt  }
0x79: {  	_ =	shalt  }
0x7a: {  	_ =	shalt  }
0x7b: {  	_ =	shalt  }
0x7c: {  	_ =	shalt  }
0x7d: {  	_ =	shalt  }
0x7e: {  	_ =	shalt  }
0x7f: {  	_ =	shalt  }
0x80: {  	_ =	shalt  }
0x81: {  	_ =	shalt  }
0x82: {  	_ =	shalt  }
0x83: {  	_ =	shalt  }
0x84: {  	_ =	shalt  }
0x85: {  	_ =	shalt  }
0x86: {  	_ =	shalt  }
0x87: {  	_ =	shalt  }
.Lfunc_end0:
.L_simem_size_0:
called_computation_lowered:
.L_overlay_start_0:
0x88: {  	s2 =	sld [smem:$0x3FD9]  }
0x89: {  	s3 =	sld [smem:$0x3FFE];
	_ =	sdelay $0x1  }
0x8a: {  	s1 =	srdreg.scid  }
0x8b: {  	s0 =	sand.u32 $0x1, s1  }
0x8c: {  	s17 =	sshll.u32 s0, $0xA;
	s2 =	sadd.s32 s3, s2  }
0x8d: {  	s2 =	sadd.s32 s2, s17  }
0x8e: {  	[smem:$0x3FC0] =	sst s2  }
0x8f: {  	_ = 	snop  }
0x90: {  	s2 =	sld [smem:$0x3FC9]  }
0x91: {  	s18 =	sld [smem:$0x3FD0];
	(tm) =	ssettm $0x1  }
0x92: {  	s4 =	sld [smem:$0x3FFB];
	_ =	sdelay $0x3  }
0x93: {  	_ =	strace s4  }
0x94: {  	s4 =	sld [smem:$0x3FFC];
	_ =	sdelay $0x3  }
0x95: {  	_ =	strace s4  }
0x96: {  	s4 =	sld [smem:$0x3FFD];
	_ =	sdelay $0x3  }
0x97: {  	_ =	strace s4  }
0x98: {  	_ =	strace $0x8FFFFFFF  }
0x99: {  	s19 =	sld [smem:$0x3FDB];
	_ =	sdelay $0x1  }
0x9a: {  	s5 =	simm.s32 $_scs_section_size  }
0x9b: {  	s6 =	simm.s32 $_size__tile_overlayer_lowered;
	s7 =	simm.s32 $_tile_overlayer_lowered  }
0x9c: {  	s22 =	simm.s32 $0x1BFF;
	s21 =	sshll.u32 s7, $0x1;
	s4 =	sadd.s32 s5, s19  }
0x9d: {  	s8 =	simm.s32 $0x0;
	s20 =	sshll.u32 s6, $0x1;
	s6 =	sadd.s32 s21, s4  }
0x9e: {  	[timem:s8], [sflag:s22] =	dma.local [hbm:s6], s20  }
0x9f: {  	_ =	swait.ge [sflag:s22], s20  }
0xa0: {  	s5 =	ssub.s32 $0x0, s20;
	[sflag:s22] =	ssyncset.done $0x0  }
0xa1: {  	[sflag:s22] =	ssyncadd.s32 s5;
	_ =	sdelay $0x1  }
0xa2: {  	s23 =	simm.s32 $0x1B8B  }
0xa3: {  	_ =	swait.ge [sflag:s23], $0x1  }
0xa4: {  	[sflag:s23] =	ssyncset.done $0x0  }
0xa5: {  	s25 =	simm.s32 $0x1B8E;
	s24 =	sld [smem:$0x3FFE];
	[sflag:s23] =	ssyncadd.s32 $0xFFFFFFFF  }
0xa6: {  	s26 =	simm.s32 $execute0_lowered;
	[smem:$0x3FD2] =	sst s25  }
0xa7: {  	s6 =	sshll.u32 s26, $0x1;
	_ =	strace $0x80000046;
	[dreg:$0x1] =	wrdreg $0xFFFFFFFF  }
0xa8: {  	s28 =	simm.s32 $_size_execute0_lowered;
	s4 =	sadd.s32 s4, s6;
	[dreg:$0x0] =	wrdreg $0x0  }
0xa9: {  	s6 =	sshll.u32 s28, $0x1;
	[dreg:$0x2] =	wrdreg s4  }
0xaa: {  	[dreg:$0x3] =	wrdreg s6  }
0xab: {  	[dreg:$0x4] =	wrdreg $0xC0  }
0xac: {  	_ =	task [dreg:s8], $0x5FFFF  }
0xad: {  	[dreg:$0x1] =	wrdreg $0xFFFFFFFF  }
0xae: {  	[dreg:$0x0] =	wrdreg $0x60  }
0xaf: {  	[dreg:$0x2] =	wrdreg s2  }
0xb0: {  	[dreg:$0x3] =	wrdreg s18  }
0xb1: {  	[dreg:$0x4] =	wrdreg s24  }
0xb2: {  	[dreg:$0x5] =	wrdreg $0x9  }
0xb3: {  	_ =	task.clear_ibuf [dreg:s8], $0x6FFFF;
	_ =	strace $0x90000046  }
0xb4: {  	s29 =	simm.s32 $0x9;
	_ =	strace $0x80000048  }
0xb5: {  	_ =	swait.ge [sflag:s29], $0x1  }
0xb6: {  	[sflag:s29] =	ssyncadd.s32 $0xFFFFFFFF  }
0xb7: {  	_ =	strace $0x90000048  }
0xb8: {  	_ =	sfence  }
0xb9: {  	s30 =	sld [smem:$0x0];
	_ =	sdelay $0x2  }
0xba: {  	s31 =	sshll.u32 s1, $0xD;
	s1 =	sshrl.u32 s1, $0x2  }
0xbb: {  	s3 =	sand.u32 $0x4000, s31;
	s1 =	sadd.s32 s1, s30  }
0xbc: {  	s0 =	sor.u32 s3, s0;
	s1 =	sshll.u32 s1, $0x11  }
0xbd: {  	s0 =	sor.u32 s1, s0  }
0xbe: {  	s0 =	sadd.s32 $0x8F2B, s0  }
0xbf: {  	[sflag:s0] =	ssyncadd.remote.s32 $0x1  }
0xc0: {  	_ =	sfence.sel $0xFFFF  }
0xc1: {  	[dreg:$0x0] =	wrdreg $0xFFFFFFFF;
	(pc) =	sbr.abs _section_cstart, $3  }
0xc2: {  	[dreg:$0x1] =	wrdreg $0xFFFFFFFF  }
0xc3: {  	_ =	task.clear_ibuf [dreg:s8], $0x2FFFF;
	_ =	strace $0x9FFFFFFF  }
0xc4: {  	(tm) =	ssettm $0x7FFFFFFF  }
0xc5: {  	_ =	shalt  }
tec
execute0_lowered:
.L_overlay_start_1:
0x0: {  	(tag) =	ssettag $0x1  }
0x1: {  	s0 =	rddreg [dreg:$0x0]  }
0x2: {  	s1 =	rddreg [dreg:$0x1]  }
0x3: {  	s6 =	rddreg [dreg:$0x2];
	s3 =	srdreg.scid;
	s2 =	simm.s32 $0x0  }
0x4: {  	s5 =	stileid.u32;
	s9 =	simm.s32 $0x3;
	s10 =	simm.s32 $0x100  }
0x5: {  	s25 =	simm.s32 $0x2100;
	s26 =	simm.s32 $0x2180;
	s28 =	simm.s32 $0x3A00  }
0x6: {  	s29 =	simm.s32 $0x4200;
	s30 =	simm.s32 $0x4A00;
	s31 =	simm.s32 $0x5200  }
0x7: {  	s13 =	simm.s32 $0x6A00;
	s14 =	simm.s32 $0x7200;
	s15 =	simm.s32 $0x7A00  }
0x8: {  	s16 =	simm.s32 $0x8200;
	s17 =	simm.s32 $0x8A00;
	s18 =	simm.s32 $0x9200  }
0x9: {  	s11 =	simm.s32 $0xD200;
	[smem:$0x7FF] =	sst s2;
	s7 =	sadd.s32 $0x2C00, s6  }
0xa: {  	s12 =	simm.s32 $0xDA00;
	_ =	strace $0x80000047;
	[dreg:$0x4] =	wrdreg s7  }
0xb: {  	s4 =	sand.u32 $0x1, s3;
	s5 =	sshll.u32 s5, $0x6;
	[dreg:$0x9] =	wrdreg s25  }
0xc: {  	s3 =	sshll.u32 s4, $0xA;
	s4 =	ssub.s32 $0x2, s4;
	[dreg:$0xa] =	wrdreg s26  }
0xd: {  	s5 =	sor.u32 s5, s3;
	s3 =	sadd.s32 $0x2E00, s6;
	s20 =	sshrl.u32 s4, $0x1  }
0xe: {  	v18 =	vlaneseq.u32;
	s19 =	sshrl.u32 s5, $0x3;
	s8 =	sshll.u32 s5, $0x7;
	s5 =	sshll.u32 s5, $0x4  }
0xf: {  	vm0 =	vmmov $0xffff;
	v0 =	vmul.u32 $0x80, v18;
	v17 =	vshrl.u32 v18, $0x3;
	s22 =	ssub.s32 s4, s20;
	s4 =	sadd.s32 $0x2F00, s6;
	s20 =	simm.s32 $0xA200  }
0x10: {  	v16 =	vand.u32 $0x7, v18;
	v18 =	vor.u32 $0x8, v18;
	v17 =	vmul.u32 $0x8, v17;
	s7 =	sadd.s32 s19, s6;
	s0 =	sadd.s32 s0, s8;
	s21 =	sadd.s32 s1, s5  }
0x11: {  	v1 =	vor.u32 $0x8, v0;
	v3 =	vor.u32 $0x18, v0;
	v4 =	vor.u32 $0x800, v0;
	s5 =	sadd.s32 $0x3000, s6;
	s6 =	sadd.s32 $0x3100, s6;
	[dreg:$0x5] =	wrdreg s0  }
0x12: {  	v5 =	vor.u32 $0x808, v0;
	v6 =	vor.u32 $0x810, v0;
	v7 =	vor.u32 $0x818, v0;
	s19 =	simm.s32 $0x9A00;
	s8 =	simm.s32 $0xC200;
	[dreg:$0x6] =	wrdreg s21  }
0x13: {  	v2 =	vor.u32 $0x10, v0;
	v8 =	vor.u32 $0x1000, v0;
	v9 =	vor.u32 $0x1008, v0;
	s23 =	sadd.s32 $0x102E00, s7;
	s24 =	sadd.s32 $0x102F00, s7;
	s7 =	smax.u32 s22, $0x1  }
0x14: {  	v10 =	vor.u32 $0x1010, v0;
	v11 =	vor.u32 $0x1018, v0;
	v12 =	vor.u32 $0x1800, v0;
	s21 =	simm.s32 $0xAA00;
	s22 =	simm.s32 $0xB200;
	[dreg:$0x7] =	wrdreg s23  }
0x15: {  	v13 =	vor.u32 $0x1808, v0;
	v14 =	vor.u32 $0x1810, v0;
	v15 =	vor.u32 $0x1818, v0;
	[dreg:$0x8] =	wrdreg s24;
	s23 =	simm.s32 $0xBA00;
	s24 =	simm.s32 $0xCA00  }
.LBB2_1:
0x16: {  	s25 =	rddreg [dreg:$0x5];
	s0 =	simm.s32 $0x2200  }
0x17: {  	[tilespmem:s0], [sflag:$0x2] =	stream.linear.gather [hbm4b:s25+s2], $0x10000, $0x38;
	[tilespmem:$0x12200] =	vst v63  }
0x18: {  	s26 =	rddreg [dreg:$0x4]  }
0x19: {  	[tilespmem:s2], [sflag:$0x3] =	stream.linear.gather [hbm4b:s26+s2], $0x80, $0x38;
	[tilespmem:$0x12200] =	vst v63  }
0x1a: {  	_ =	swait.ge [sflag:s9], $0x80  }
0x1b: {  	[sflag:s9] =	ssyncset.done $0x0  }
0x1c: {  	s0 =	rddreg [dreg:$0x6];
	[sflag:s9] =	ssyncadd.s32 $0xFFFFFF80  }
0x1d: {  	[tilespmem:s10], [sflag:$0x3] =	stream.linear.gather [hbm4b:s0+s2], $0x2000, $0x38;
	[tilespmem:$0x12200] =	vst v63  }
0x1e: {  	_ =	swait.ge [sflag:s9], $0x2000  }
0x1f: {  	[sflag:s9] =	ssyncset.done $0x0  }
0x20: {  	[sflag:s9] =	ssyncadd.s32 $0xFFFFE000  }
0x21: {  	v19 =	vld [tilespmem:$0x0];
	_ =	sdelay $0x4  }
0x22: {  	v19 =	vadd.s32 $0xFF, v19  }
0x23: {  	v19 =	vand.u32 $0xFFFFFF00, v19  }
0x24: {  	(xrf0) =	vadd.scan.msk.s32 $0xffff, v19;
	_ =	sdelay $0x5  }
0x25: {  	v20, _, _ =	vpop (xrf0)  }
0x26: {  	v19 =	vsub.s32 v20, v19  }
0x27: {  	[tilespmem:$0x80] =	vst v19  }
0x28: {  	v19 =	vld.idx.msk [tilespmem:v0+s10+$0x0], $0xffff;
	_ =	sdelay $0x5  }
0x29: {  	v20 =	vld.idx.msk [tilespmem:v1+s10+$0x0], $0xffff  }
0x2a: {  	s25 =	simm.s32 $0x80;
	v21 =	vld.idx.msk [tilespmem:v2+s10+$0x0], $0xffff  }
0x2b: {  	v19 =	vld.idx.msk [tilespmem:v19+s25+$0x0], $0xffff;
	_ =	sdelay $0x4  }
0x2c: {  	v19 =	vadd.s32 v21, v19  }
0x2d: {  	v22 =	vld.idx.msk [tilespmem:v3+s10+$0x0], $0xffff;
	[tilespmem:$0x2100] =	vst v19  }
0x2e: {  	v19 =	vld.idx.msk [tilespmem:v20+s25+$0x0], $0xffff;
	_ =	sdelay $0x4  }
0x2f: {  	v19 =	vadd.s32 v22, v19  }
0x30: {  	[tilespmem:$0x2180] =	vst v19  }
0x31: {  	v19 =	vld.idx.msk [tilespmem:v4+s10+$0x0], $0xffff;
	_ =	sdelay $0x5  }
0x32: {  	v20 =	vld.idx.msk [tilespmem:v5+s10+$0x0], $0xffff  }
0x33: {  	v58 =	vld.idx.msk [tilespmem:v6+s10+$0x0], $0xffff  }
0x34: {  	v19 =	vld.idx.msk [tilespmem:v19+s25+$0x0], $0xffff;
	_ =	sdelay $0x4  }
0x35: {  	v19 =	vadd.s32 v58, v19  }
0x36: {  	v59 =	vld.idx.msk [tilespmem:v7+s10+$0x0], $0xffff;
	[tilespmem:$0x2110] =	vst v19  }
0x37: {  	v19 =	vld.idx.msk [tilespmem:v20+s25+$0x0], $0xffff;
	_ =	sdelay $0x4  }
0x38: {  	v19 =	vadd.s32 v59, v19  }
0x39: {  	[tilespmem:$0x2190] =	vst v19  }
0x3a: {  	v19 =	vld.idx.msk [tilespmem:v8+s10+$0x0], $0xffff;
	_ =	sdelay $0x5  }
0x3b: {  	v20 =	vld.idx.msk [tilespmem:v9+s10+$0x0], $0xffff  }
0x3c: {  	v60 =	vld.idx.msk [tilespmem:v10+s10+$0x0], $0xffff  }
0x3d: {  	v19 =	vld.idx.msk [tilespmem:v19+s25+$0x0], $0xffff;
	_ =	sdelay $0x4  }
0x3e: {  	v19 =	vadd.s32 v60, v19  }
0x3f: {  	v61 =	vld.idx.msk [tilespmem:v11+s10+$0x0], $0xffff;
	[tilespmem:$0x2120] =	vst v19  }
0x40: {  	v19 =	vld.idx.msk [tilespmem:v20+s25+$0x0], $0xffff;
	_ =	sdelay $0x4  }
0x41: {  	v19 =	vadd.s32 v61, v19  }
0x42: {  	[tilespmem:$0x21A0] =	vst v19  }
0x43: {  	v19 =	vld.idx.msk [tilespmem:v12+s10+$0x0], $0xffff;
	_ =	sdelay $0x5  }
0x44: {  	v20 =	vld.idx.msk [tilespmem:v13+s10+$0x0], $0xffff  }
0x45: {  	v62 =	vld.idx.msk [tilespmem:v14+s10+$0x0], $0xffff  }
0x46: {  	v19 =	vld.idx.msk [tilespmem:v19+s25+$0x0], $0xffff;
	_ =	sdelay $0x4  }
0x47: {  	v19 =	vadd.s32 v62, v19  }
0x48: {  	v63 =	vld.idx.msk [tilespmem:v15+s10+$0x0], $0xffff;
	[tilespmem:$0x2130] =	vst v19  }
0x49: {  	v19 =	vld.idx.msk [tilespmem:v20+s25+$0x0], $0xffff;
	_ =	sdelay $0x4  }
0x4a: {  	v19 =	vadd.s32 v63, v19  }
0x4b: {  	s26 =	simm.s32 $0x2;
	[tilespmem:$0x21B0] =	vst v19  }
0x4c: {  	_ =	swait.ge [sflag:s26], $0x10000  }
0x4d: {  	[sflag:s26] =	ssyncset.done $0x0  }
0x4e: {  	[sflag:s26] =	ssyncadd.s32 $0xFFFF0000  }
0x4f: {  	v19 =	vld [tilespmem:$0x2100];
	_ =	sdelay $0x4  }
0x50: {  	v20 =	vshll.u32 v19, $0x3  }
0x51: {  	v19 =	vand.u32 $0x7, v19;
	v20 =	vand.u32 $0xFFFFFFC0, v20  }
0x52: {  	v19 =	vor.u32 v19, v20  }
0x53: {  	v20 =	vperm.xlane v19, v16;
	_ =	sdelay $0x1  }
0x54: {  	v20 =	vadd.s32 v17, v20;
	_ =	sdelay $0x3  }
0x55: {  	s1 =	simm.s32 $0x2200  }
0x56: {  	[hbm4b:s3+s2] =	stream.indirect_vreg.scatter [tilespmem:s1], [sflag:$0x1], $0x80, v20, vm0, $0xb8;
	[tilespmem:$0x12200] =	vst v63  }
0x57: {  	s25 =	simm.s32 $0x2A00;
	v19 =	vperm.xlane v19, v18  }
0x58: {  	[hbm4b:s4+s2] =	stream.indirect_vreg.scatter [tilespmem:s25], [sflag:$0x1], $0x80, v20, vm0, $0xb8;
	[tilespmem:$0x12200] =	vst v63  }
0x59: {  	s26 =	simm.s32 $0x3200;
	v19 =	vadd.s32 v17, v19  }
0x5a: {  	[hbm4b:s5+s2] =	stream.indirect_vreg.scatter [tilespmem:s26], [sflag:$0x1], $0x80, v20, vm0, $0xb8;
	[tilespmem:$0x12200] =	vst v63  }
0x5b: {  	_ = 	snop  }
0x5c: {  	[hbm4b:s6+s2] =	stream.indirect_vreg.scatter [tilespmem:s28], [sflag:$0x1], $0x80, v20, vm0, $0xb8;
	[tilespmem:$0x12200] =	vst v63  }
0x5d: {  	_ = 	snop  }
0x5e: {  	[hbm4b:s3+s2] =	stream.indirect_vreg.scatter [tilespmem:s29], [sflag:$0x1], $0x80, v19, vm0, $0xb8;
	[tilespmem:$0x12200] =	vst v63  }
0x5f: {  	_ = 	snop  }
0x60: {  	[hbm4b:s4+s2] =	stream.indirect_vreg.scatter [tilespmem:s30], [sflag:$0x1], $0x80, v19, vm0, $0xb8;
	[tilespmem:$0x12200] =	vst v63  }
0x61: {  	_ = 	snop  }
0x62: {  	[hbm4b:s5+s2] =	stream.indirect_vreg.scatter [tilespmem:s31], [sflag:$0x1], $0x80, v19, vm0, $0xb8;
	[tilespmem:$0x12200] =	vst v63  }
0x63: {  	s1 =	simm.s32 $0x5A00  }
0x64: {  	[hbm4b:s6+s2] =	stream.indirect_vreg.scatter [tilespmem:s1], [sflag:$0x1], $0x80, v19, vm0, $0xb8;
	[tilespmem:$0x12200] =	vst v63  }
0x65: {  	v19 =	vld [tilespmem:$0x2110];
	_ =	sdelay $0x4  }
0x66: {  	v20 =	vshll.u32 v19, $0x3  }
0x67: {  	v19 =	vand.u32 $0x7, v19;
	v20 =	vand.u32 $0xFFFFFFC0, v20  }
0x68: {  	v19 =	vor.u32 v19, v20  }
0x69: {  	v20 =	vperm.xlane v19, v16;
	_ =	sdelay $0x1  }
0x6a: {  	v20 =	vadd.s32 v17, v20;
	_ =	sdelay $0x3  }
0x6b: {  	s1 =	simm.s32 $0x6200  }
0x6c: {  	[hbm4b:s3+s2] =	stream.indirect_vreg.scatter [tilespmem:s1], [sflag:$0x1], $0x80, v20, vm0, $0xb8;
	[tilespmem:$0x12200] =	vst v63  }
0x6d: {  	v19 =	vperm.xlane v19, v18  }
0x6e: {  	[hbm4b:s4+s2] =	stream.indirect_vreg.scatter [tilespmem:s13], [sflag:$0x1], $0x80, v20, vm0, $0xb8;
	[tilespmem:$0x12200] =	vst v63  }
0x6f: {  	v19 =	vadd.s32 v17, v19  }
0x70: {  	[hbm4b:s5+s2] =	stream.indirect_vreg.scatter [tilespmem:s14], [sflag:$0x1], $0x80, v20, vm0, $0xb8;
	[tilespmem:$0x12200] =	vst v63  }
0x71: {  	_ = 	snop  }
0x72: {  	[hbm4b:s6+s2] =	stream.indirect_vreg.scatter [tilespmem:s15], [sflag:$0x1], $0x80, v20, vm0, $0xb8;
	[tilespmem:$0x12200] =	vst v63  }
0x73: {  	_ = 	snop  }
0x74: {  	[hbm4b:s3+s2] =	stream.indirect_vreg.scatter [tilespmem:s16], [sflag:$0x1], $0x80, v19, vm0, $0xb8;
	[tilespmem:$0x12200] =	vst v63  }
0x75: {  	_ = 	snop  }
0x76: {  	[hbm4b:s4+s2] =	stream.indirect_vreg.scatter [tilespmem:s17], [sflag:$0x1], $0x80, v19, vm0, $0xb8;
	[tilespmem:$0x12200] =	vst v63  }
0x77: {  	_ = 	snop  }
0x78: {  	[hbm4b:s5+s2] =	stream.indirect_vreg.scatter [tilespmem:s18], [sflag:$0x1], $0x80, v19, vm0, $0xb8;
	[tilespmem:$0x12200] =	vst v63  }
0x79: {  	_ = 	snop  }
0x7a: {  	[hbm4b:s6+s2] =	stream.indirect_vreg.scatter [tilespmem:s19], [sflag:$0x1], $0x80, v19, vm0, $0xb8;
	[tilespmem:$0x12200] =	vst v63  }
0x7b: {  	v19 =	vld [tilespmem:$0x2120];
	_ =	sdelay $0x4  }
0x7c: {  	v20 =	vshll.u32 v19, $0x3  }
0x7d: {  	v19 =	vand.u32 $0x7, v19;
	v20 =	vand.u32 $0xFFFFFFC0, v20  }
0x7e: {  	v19 =	vor.u32 v19, v20  }
0x7f: {  	v20 =	vperm.xlane v19, v16;
	_ =	sdelay $0x1  }
0x80: {  	v20 =	vadd.s32 v17, v20;
	_ =	sdelay $0x4  }
0x81: {  	[hbm4b:s3+s2] =	stream.indirect_vreg.scatter [tilespmem:s20], [sflag:$0x1], $0x80, v20, vm0, $0xb8;
	[tilespmem:$0x12200] =	vst v63  }
0x82: {  	v19 =	vperm.xlane v19, v18  }
0x83: {  	[hbm4b:s4+s2] =	stream.indirect_vreg.scatter [tilespmem:s21], [sflag:$0x1], $0x80, v20, vm0, $0xb8;
	[tilespmem:$0x12200] =	vst v63  }
0x84: {  	v19 =	vadd.s32 v17, v19  }
0x85: {  	[hbm4b:s5+s2] =	stream.indirect_vreg.scatter [tilespmem:s22], [sflag:$0x1], $0x80, v20, vm0, $0xb8;
	[tilespmem:$0x12200] =	vst v63  }
0x86: {  	_ = 	snop  }
0x87: {  	[hbm4b:s6+s2] =	stream.indirect_vreg.scatter [tilespmem:s23], [sflag:$0x1], $0x80, v20, vm0, $0xb8;
	[tilespmem:$0x12200] =	vst v63  }
0x88: {  	_ = 	snop  }
0x89: {  	[hbm4b:s3+s2] =	stream.indirect_vreg.scatter [tilespmem:s8], [sflag:$0x1], $0x80, v19, vm0, $0xb8;
	[tilespmem:$0x12200] =	vst v63  }
0x8a: {  	_ = 	snop  }
0x8b: {  	[hbm4b:s4+s2] =	stream.indirect_vreg.scatter [tilespmem:s24], [sflag:$0x1], $0x80, v19, vm0, $0xb8;
	[tilespmem:$0x12200] =	vst v63  }
0x8c: {  	_ = 	snop  }
0x8d: {  	[hbm4b:s5+s2] =	stream.indirect_vreg.scatter [tilespmem:s11], [sflag:$0x1], $0x80, v19, vm0, $0xb8;
	[tilespmem:$0x12200] =	vst v63  }
0x8e: {  	_ = 	snop  }
0x8f: {  	[hbm4b:s6+s2] =	stream.indirect_vreg.scatter [tilespmem:s12], [sflag:$0x1], $0x80, v19, vm0, $0xb8;
	[tilespmem:$0x12200] =	vst v63  }
0x90: {  	v19 =	vld [tilespmem:$0x2130];
	_ =	sdelay $0x4  }
0x91: {  	v20 =	vshll.u32 v19, $0x3  }
0x92: {  	v19 =	vand.u32 $0x7, v19;
	v20 =	vand.u32 $0xFFFFFFC0, v20  }
0x93: {  	v19 =	vor.u32 v19, v20  }
0x94: {  	v20 =	vperm.xlane v19, v16;
	_ =	sdelay $0x1  }
0x95: {  	v20 =	vadd.s32 v17, v20;
	_ =	sdelay $0x3  }
0x96: {  	s0 =	simm.s32 $0xE200  }
0x97: {  	[hbm4b:s3+s2] =	stream.indirect_vreg.scatter [tilespmem:s0], [sflag:$0x1], $0x80, v20, vm0, $0xb8;
	[tilespmem:$0x12200] =	vst v63  }
0x98: {  	v19 =	vperm.xlane v19, v18;
	s0 =	simm.s32 $0xEA00  }
0x99: {  	[hbm4b:s4+s2] =	stream.indirect_vreg.scatter [tilespmem:s0], [sflag:$0x1], $0x80, v20, vm0, $0xb8;
	[tilespmem:$0x12200] =	vst v63  }
0x9a: {  	v19 =	vadd.s32 v17, v19;
	s0 =	simm.s32 $0xF200  }
0x9b: {  	[hbm4b:s5+s2] =	stream.indirect_vreg.scatter [tilespmem:s0], [sflag:$0x1], $0x80, v20, vm0, $0xb8;
	[tilespmem:$0x12200] =	vst v63  }
0x9c: {  	s0 =	simm.s32 $0xFA00  }
0x9d: {  	[hbm4b:s6+s2] =	stream.indirect_vreg.scatter [tilespmem:s0], [sflag:$0x1], $0x80, v20, vm0, $0xb8;
	[tilespmem:$0x12200] =	vst v63  }
0x9e: {  	s0 =	simm.s32 $0x10200  }
0x9f: {  	[hbm4b:s3+s2] =	stream.indirect_vreg.scatter [tilespmem:s0], [sflag:$0x1], $0x80, v19, vm0, $0xb8;
	[tilespmem:$0x12200] =	vst v63  }
0xa0: {  	s0 =	simm.s32 $0x10A00  }
0xa1: {  	[hbm4b:s4+s2] =	stream.indirect_vreg.scatter [tilespmem:s0], [sflag:$0x1], $0x80, v19, vm0, $0xb8;
	[tilespmem:$0x12200] =	vst v63  }
0xa2: {  	s0 =	simm.s32 $0x11200  }
0xa3: {  	[hbm4b:s5+s2] =	stream.indirect_vreg.scatter [tilespmem:s0], [sflag:$0x1], $0x80, v19, vm0, $0xb8;
	[tilespmem:$0x12200] =	vst v63  }
0xa4: {  	s0 =	simm.s32 $0x11A00  }
0xa5: {  	[hbm4b:s6+s2] =	stream.indirect_vreg.scatter [tilespmem:s0], [sflag:$0x1], $0x80, v19, vm0, $0xb8;
	[tilespmem:$0x12200] =	vst v63  }
0xa6: {  	v19 =	vld [tilespmem:$0x2180];
	_ =	sdelay $0x4  }
0xa7: {  	v20 =	vshll.u32 v19, $0x3  }
0xa8: {  	v19 =	vand.u32 $0x7, v19;
	v20 =	vand.u32 $0xFFFFFFC0, v20  }
0xa9: {  	v19 =	vor.u32 v19, v20  }
0xaa: {  	v20 =	vperm.xlane v19, v16;
	_ =	sdelay $0x1  }
0xab: {  	v20 =	vadd.s32 v17, v20;
	_ =	sdelay $0x3  }
0xac: {  	s0 =	simm.s32 $0x2200  }
0xad: {  	[hbm4b:s3+s2] =	stream.indirect_vreg.scatter [tilespmem:s0], [sflag:$0x1], $0x80, v20, vm0, $0xb8;
	[tilespmem:$0x12200] =	vst v63  }
0xae: {  	v19 =	vperm.xlane v19, v18  }
0xaf: {  	[hbm4b:s4+s2] =	stream.indirect_vreg.scatter [tilespmem:s25], [sflag:$0x1], $0x80, v20, vm0, $0xb8;
	[tilespmem:$0x12200] =	vst v63  }
0xb0: {  	v19 =	vadd.s32 v17, v19  }
0xb1: {  	[hbm4b:s5+s2] =	stream.indirect_vreg.scatter [tilespmem:s26], [sflag:$0x1], $0x80, v20, vm0, $0xb8;
	[tilespmem:$0x12200] =	vst v63  }
0xb2: {  	_ = 	snop  }
0xb3: {  	[hbm4b:s6+s2] =	stream.indirect_vreg.scatter [tilespmem:s28], [sflag:$0x1], $0x80, v20, vm0, $0xb8;
	[tilespmem:$0x12200] =	vst v63  }
0xb4: {  	_ = 	snop  }
0xb5: {  	[hbm4b:s3+s2] =	stream.indirect_vreg.scatter [tilespmem:s29], [sflag:$0x1], $0x80, v19, vm0, $0xb8;
	[tilespmem:$0x12200] =	vst v63  }
0xb6: {  	_ = 	snop  }
0xb7: {  	[hbm4b:s4+s2] =	stream.indirect_vreg.scatter [tilespmem:s30], [sflag:$0x1], $0x80, v19, vm0, $0xb8;
	[tilespmem:$0x12200] =	vst v63  }
0xb8: {  	_ = 	snop  }
0xb9: {  	[hbm4b:s5+s2] =	stream.indirect_vreg.scatter [tilespmem:s31], [sflag:$0x1], $0x80, v19, vm0, $0xb8;
	[tilespmem:$0x12200] =	vst v63  }
0xba: {  	s26 =	simm.s32 $0x5A00  }
0xbb: {  	[hbm4b:s6+s2] =	stream.indirect_vreg.scatter [tilespmem:s26], [sflag:$0x1], $0x80, v19, vm0, $0xb8;
	[tilespmem:$0x12200] =	vst v63  }
0xbc: {  	v19 =	vld [tilespmem:$0x2190];
	_ =	sdelay $0x4  }
0xbd: {  	v20 =	vshll.u32 v19, $0x3  }
0xbe: {  	v19 =	vand.u32 $0x7, v19;
	v20 =	vand.u32 $0xFFFFFFC0, v20  }
0xbf: {  	v19 =	vor.u32 v19, v20  }
0xc0: {  	v20 =	vperm.xlane v19, v16;
	_ =	sdelay $0x1  }
0xc1: {  	v20 =	vadd.s32 v17, v20;
	_ =	sdelay $0x4  }
0xc2: {  	[hbm4b:s3+s2] =	stream.indirect_vreg.scatter [tilespmem:s1], [sflag:$0x1], $0x80, v20, vm0, $0xb8;
	[tilespmem:$0x12200] =	vst v63  }
0xc3: {  	v19 =	vperm.xlane v19, v18  }
0xc4: {  	[hbm4b:s4+s2] =	stream.indirect_vreg.scatter [tilespmem:s13], [sflag:$0x1], $0x80, v20, vm0, $0xb8;
	[tilespmem:$0x12200] =	vst v63  }
0xc5: {  	v19 =	vadd.s32 v17, v19  }
0xc6: {  	[hbm4b:s5+s2] =	stream.indirect_vreg.scatter [tilespmem:s14], [sflag:$0x1], $0x80, v20, vm0, $0xb8;
	[tilespmem:$0x12200] =	vst v63  }
0xc7: {  	_ = 	snop  }
0xc8: {  	[hbm4b:s6+s2] =	stream.indirect_vreg.scatter [tilespmem:s15], [sflag:$0x1], $0x80, v20, vm0, $0xb8;
	[tilespmem:$0x12200] =	vst v63  }
0xc9: {  	_ = 	snop  }
0xca: {  	[hbm4b:s3+s2] =	stream.indirect_vreg.scatter [tilespmem:s16], [sflag:$0x1], $0x80, v19, vm0, $0xb8;
	[tilespmem:$0x12200] =	vst v63  }
0xcb: {  	_ = 	snop  }
0xcc: {  	[hbm4b:s4+s2] =	stream.indirect_vreg.scatter [tilespmem:s17], [sflag:$0x1], $0x80, v19, vm0, $0xb8;
	[tilespmem:$0x12200] =	vst v63  }
0xcd: {  	_ = 	snop  }
0xce: {  	[hbm4b:s5+s2] =	stream.indirect_vreg.scatter [tilespmem:s18], [sflag:$0x1], $0x80, v19, vm0, $0xb8;
	[tilespmem:$0x12200] =	vst v63  }
0xcf: {  	_ = 	snop  }
0xd0: {  	[hbm4b:s6+s2] =	stream.indirect_vreg.scatter [tilespmem:s19], [sflag:$0x1], $0x80, v19, vm0, $0xb8;
	[tilespmem:$0x12200] =	vst v63  }
0xd1: {  	v19 =	vld [tilespmem:$0x21A0];
	_ =	sdelay $0x4  }
0xd2: {  	v20 =	vshll.u32 v19, $0x3  }
0xd3: {  	v19 =	vand.u32 $0x7, v19;
	v20 =	vand.u32 $0xFFFFFFC0, v20  }
0xd4: {  	v19 =	vor.u32 v19, v20  }
0xd5: {  	v20 =	vperm.xlane v19, v16;
	_ =	sdelay $0x1  }
0xd6: {  	v20 =	vadd.s32 v17, v20;
	_ =	sdelay $0x4  }
0xd7: {  	[hbm4b:s3+s2] =	stream.indirect_vreg.scatter [tilespmem:s20], [sflag:$0x1], $0x80, v20, vm0, $0xb8;
	[tilespmem:$0x12200] =	vst v63  }
0xd8: {  	v19 =	vperm.xlane v19, v18  }
0xd9: {  	[hbm4b:s4+s2] =	stream.indirect_vreg.scatter [tilespmem:s21], [sflag:$0x1], $0x80, v20, vm0, $0xb8;
	[tilespmem:$0x12200] =	vst v63  }
0xda: {  	v19 =	vadd.s32 v17, v19  }
0xdb: {  	[hbm4b:s5+s2] =	stream.indirect_vreg.scatter [tilespmem:s22], [sflag:$0x1], $0x80, v20, vm0, $0xb8;
	[tilespmem:$0x12200] =	vst v63  }
0xdc: {  	_ = 	snop  }
0xdd: {  	[hbm4b:s6+s2] =	stream.indirect_vreg.scatter [tilespmem:s23], [sflag:$0x1], $0x80, v20, vm0, $0xb8;
	[tilespmem:$0x12200] =	vst v63  }
0xde: {  	_ = 	snop  }
0xdf: {  	[hbm4b:s3+s2] =	stream.indirect_vreg.scatter [tilespmem:s8], [sflag:$0x1], $0x80, v19, vm0, $0xb8;
	[tilespmem:$0x12200] =	vst v63  }
0xe0: {  	_ = 	snop  }
0xe1: {  	[hbm4b:s4+s2] =	stream.indirect_vreg.scatter [tilespmem:s24], [sflag:$0x1], $0x80, v19, vm0, $0xb8;
	[tilespmem:$0x12200] =	vst v63  }
0xe2: {  	_ = 	snop  }
0xe3: {  	[hbm4b:s5+s2] =	stream.indirect_vreg.scatter [tilespmem:s11], [sflag:$0x1], $0x80, v19, vm0, $0xb8;
	[tilespmem:$0x12200] =	vst v63  }
0xe4: {  	_ = 	snop  }
0xe5: {  	[hbm4b:s6+s2] =	stream.indirect_vreg.scatter [tilespmem:s12], [sflag:$0x1], $0x80, v19, vm0, $0xb8;
	[tilespmem:$0x12200] =	vst v63  }
0xe6: {  	v19 =	vld [tilespmem:$0x21B0];
	_ =	sdelay $0x4  }
0xe7: {  	v20 =	vshll.u32 v19, $0x3  }
0xe8: {  	v19 =	vand.u32 $0x7, v19;
	v20 =	vand.u32 $0xFFFFFFC0, v20  }
0xe9: {  	v19 =	vor.u32 v19, v20  }
0xea: {  	v20 =	vperm.xlane v19, v16;
	_ =	sdelay $0x1  }
0xeb: {  	v20 =	vadd.s32 v17, v20;
	_ =	sdelay $0x3  }
0xec: {  	s1 =	simm.s32 $0xE200  }
0xed: {  	[hbm4b:s3+s2] =	stream.indirect_vreg.scatter [tilespmem:s1], [sflag:$0x1], $0x80, v20, vm0, $0xb8;
	[tilespmem:$0x12200] =	vst v63  }
0xee: {  	s25 =	simm.s32 $0xEA00;
	v19 =	vperm.xlane v19, v18  }
0xef: {  	[hbm4b:s4+s2] =	stream.indirect_vreg.scatter [tilespmem:s25], [sflag:$0x1], $0x80, v20, vm0, $0xb8;
	[tilespmem:$0x12200] =	vst v63  }
0xf0: {  	s26 =	simm.s32 $0xF200;
	v19 =	vadd.s32 v17, v19  }
0xf1: {  	[hbm4b:s5+s2] =	stream.indirect_vreg.scatter [tilespmem:s26], [sflag:$0x1], $0x80, v20, vm0, $0xb8;
	[tilespmem:$0x12200] =	vst v63  }
0xf2: {  	s0 =	simm.s32 $0xFA00  }
0xf3: {  	[hbm4b:s6+s2] =	stream.indirect_vreg.scatter [tilespmem:s0], [sflag:$0x1], $0x80, v20, vm0, $0xb8;
	[tilespmem:$0x12200] =	vst v63  }
0xf4: {  	s25 =	simm.s32 $0x10200  }
0xf5: {  	[hbm4b:s3+s2] =	stream.indirect_vreg.scatter [tilespmem:s25], [sflag:$0x1], $0x80, v19, vm0, $0xb8;
	[tilespmem:$0x12200] =	vst v63  }
0xf6: {  	s26 =	simm.s32 $0x10A00  }
0xf7: {  	[hbm4b:s4+s2] =	stream.indirect_vreg.scatter [tilespmem:s26], [sflag:$0x1], $0x80, v19, vm0, $0xb8;
	[tilespmem:$0x12200] =	vst v63  }
0xf8: {  	s0 =	simm.s32 $0x11200  }
0xf9: {  	[hbm4b:s5+s2] =	stream.indirect_vreg.scatter [tilespmem:s0], [sflag:$0x1], $0x80, v19, vm0, $0xb8;
	[tilespmem:$0x12200] =	vst v63  }
0xfa: {  	s1 =	simm.s32 $0x11A00;
	s25 =	rddreg [dreg:$0x7]  }
0xfb: {  	[hbm4b:s6+s2] =	stream.indirect_vreg.scatter [tilespmem:s1], [sflag:$0x1], $0x80, v19, vm0, $0xb8;
	[tilespmem:$0x12200] =	vst v63  }
0xfc: {  	s26 =	rddreg [dreg:$0x9]  }
0xfd: {  	[hbm4b:s25+s2] =	stream.linear.scatter [tilespmem:s26], [sflag:$0x3], $0x40, $0x38;
	[tilespmem:$0x12200] =	vst v63  }
0xfe: {  	_ =	swait.ge [sflag:s9], $0x40  }
0xff: {  	s0 =	rddreg [dreg:$0x8];
	[sflag:s9] =	ssyncset.done $0x0  }
0x100: {  	s1 =	rddreg [dreg:$0xa];
	[sflag:s9] =	ssyncadd.s32 $0xFFFFFFC0  }
0x101: {  	[hbm4b:s0+s2] =	stream.linear.scatter [tilespmem:s1], [sflag:$0x3], $0x40, $0x38;
	[tilespmem:$0x12200] =	vst v63  }
0x102: {  	_ =	swait.ge [sflag:s9], $0x40  }
0x103: {  	[sflag:s9] =	ssyncset.done $0x0  }
0x104: {  	s26 =	simm.s32 $0x1;
	[sflag:s9] =	ssyncadd.s32 $0xFFFFFFC0  }
0x105: {  	p0 =	sne.s32 s7, $0x1;
	_ =	swait.ge [sflag:s26], $0x10000  }
.Ltmp0:
0x106: {  	[sflag:s26] =	ssyncset.done $0x0;
	(pc) =	sbr.rel @p0 .LBB2_1-.Ltmp0, $4  }
0x107: {  	[sflag:s26] =	ssyncadd.s32 $0xFFFF0000  }
0x108: {  	_ =	swait.ge [sflag:s26], $0x10000  }
0x109: {  	[sflag:s26] =	ssyncset.done $0x0  }
0x10a: {  	s7 =	sadd.s32 $0xFFFFFFFF, s7;
	[sflag:s26] =	ssyncadd.s32 $0xFFFF0000  }
0x10b: {  	_ =	sfence.sel $0x180000  }
0x10c: {  	[bflag:$0x0] =	sbarrier.arrive $0xFFFF  }
0x10d: {  	_ =	strace $0x90000047  }
0x10e: {  	s0 =	stileid.u32;
	[bflag:$0x2] =	sbarrier.arrive $0xFFFF  }
0x10f: {  	p0 =	sne.s32 s0, $0x0;
	s0 =	rddreg [dreg:$0x3]  }
0x110: {  	s0 =	sadd.s32 @!p0 $0x100000, s0  }
0x111: {  	[sflag:s0] =	ssyncadd.tile.s32 @!p0 $0x1;
	_ =	shalt  }
.Lfunc_end2:
_tile_overlayer_lowered:
.L_overlay_start_2:
0x112: {  	(tag) =	ssettag $0x2  }
0x113: {  	s0 =	rddreg [dreg:$0x0];
	s2 =	stileid.u32  }
0x114: {  	s1 =	rddreg [dreg:$0x1];
	p0 =	sne.s32 s2, $0x0  }
0x115: {  	s3 =	rddreg [dreg:$0x2];
	[bflag:$0x3] =	sbarrier.arrive $0xFFFF;
	s2 =	simm.s32 @!p0 $0x1C03  }
0x116: {  	[timem:s3], [sflag:s2] =	dma.local @!p0 [hbm:s0], s1  }
0x117: {  	s0 =	simm.s32 @!p0 $0x3  }
0x118: {  	_ =	swait.ge @!p0 [sflag:s0], s1  }
0x119: {  	s1 =	ssub.s32 @!p0 $0x0, s1;
	[sflag:s0] =	ssyncset.done @!p0 $0x0  }
0x11a: {  	[sflag:s0] =	ssyncadd.s32 @!p0 s1  }
0x11b: {  	[bflag:$0x3] =	sbarrier.arrive $0xFFFF  }
0x11c: {  	_ =	shalt  }

// kernel: kernel.13.cloned.1.call-start
scs
__scs_entry_jumppad:
0x0: {  	(pc) =	sbr.rel $0x88, $3  }
0x1: {  	(tag) =	ssettag $0x0;
	lr =	simm.s32 $0x1  }
0x2: {  	[smem:$0x3F99] =	sst lr;
	_ =	strace $0xD0000000  }
0x3: {  	_ = 	snop  }
0x4: {  	_ = 	snop  }
0x5: {  	_ = 	snop  }
0x6: {  	_ = 	snop  }
0x7: {  	_ = 	snop  }
__scs_overlays_trampoline_lowered:
0x8: {  	[smem:$0x3FA8] =	sst s0  }
0x9: {  	[smem:$0x3FA9] =	sst s1  }
0xa: {  	[smem:$0x3FAA] =	sst s2  }
0xb: {  	[smem:$0x3FAB] =	sst s3  }
0xc: {  	[smem:$0x3FAC] =	sst s4  }
0xd: {  	[smem:$0x3FAD] =	sst s5  }
0xe: {  	[smem:$0x3FAE] =	sst s6  }
0xf: {  	[smem:$0x3FAF] =	sst s7  }
0x10: {  	[smem:$0x3FB0] =	sst s8  }
0x11: {  	[smem:$0x3FB1] =	sst s9;
	s0 =	simm.s32 @!p0 $0x0  }
0x12: {  	s1 =	sld [smem:$0x3F97];
	s0 =	simm.s32 @p0 $0x1  }
0x13: {  	[smem:$0x3FB2] =	sst s0;
	s0 =	simm.s32 @!p1 $0x0  }
0x14: {  	s2 =	sld [smem:$0x3F96];
	s0 =	simm.s32 @p1 $0x1  }
0x15: {  	[smem:$0x3FB3] =	sst s0;
	s0 =	simm.s32 @!p2 $0x0  }
0x16: {  	s3 =	sld [smem:$0x3FDB];
	s0 =	simm.s32 @p2 $0x1  }
0x17: {  	s4 =	simm.s32 $0x1BF5;
	[smem:$0x3FB5] =	sst s0  }
0x18: {  	s0 =	sld [smem:$0x3F98];
	_ =	swait.ge [sflag:s4], $0x0  }
0x19: {  	s7 =	sld [smem:$0x3F99]  }
0x1a: {  	s8 =	sadd.s32 $0xFFFFE003, lr  }
0x1b: {  	s9 =	sadd.s32 $0xFFFFFEF7, lr;
	s5 =	simm.s32 $0xFFFFFFFF;
	p2 =	slt.u32 s8, $0xFFFFF086  }
0x1c: {  	p1 =	slt.u32 s9, $0xF7A;
	s5 =	simm.s32 @!p2 $0x0  }
0x1d: {  	s5 =	simm.s32 @p1 $0x1;
	p0 =	seq.s32 s7, s2  }
0x1e: {  	s7 =	smul.u32 @!p0 $0xF7A, s2;
	p2 =	seq.s32 @!p0 s5, $0x0  }
0x1f: {  	s9 =	smul.u32 $0xF7A, s1;
	s8 =	simm.s32 @!p0 $0x1BF5;
	p2 =	por !p2, p0  }
0x20: {  	[sflag:s8] =	ssyncset.s32 @!p0 $0xFFFFF086;
	s6 =	sadd.s32 @!p0 s3, s7;
	s7 =	simm.s32 @!p0 $0x108  }
0x21: {  	s3 =	sadd.s32 s3, s9;
	s6 =	sadd.s32 @!p0 $0x88, s6;
	s7 =	simm.s32 @p2 $0x1082  }
0x22: {  	[simem:s7], [sflag:s8] =	dma.local @!p0 [hbm:s6], $0xF7A  }
0x23: {  	s9 =	sor.u32 $0xD0000000, s2;
	s6 =	simm.s32 $0x108;
	_ =	swait.ge @!p0 [sflag:s8], $0x0  }
0x24: {  	s3 =	sadd.s32 $0x88, s3;
	s6 =	simm.s32 @!p1 $0x1082;
	[sflag:s4] =	ssyncset.s32 $0xFFFFF086  }
0x25: {  	[simem:s6], [sflag:s4] =	dma.local [hbm:s3], $0xF7A  }
0x26: {  	[smem:$0x3F99] =	sst s1;
	(tag) =	ssettag s2;
	_ =	strace s9  }
0x27: {  	s1 =	sld [smem:$0x3FA9]  }
0x28: {  	s2 =	sld [smem:$0x3FAA]  }
0x29: {  	s4 =	sld [smem:$0x3FAC]  }
0x2a: {  	p0 =	seq.s32 s5, $0x0;
	s5 =	sld [smem:$0x3FAD]  }
0x2b: {  	s6 =	sld [smem:$0x3FAE]  }
0x2c: {  	s7 =	sld [smem:$0x3FAF]  }
0x2d: {  	s3 =	simm.s32 $0x108;
	s8 =	sld [smem:$0x3FB0]  }
0x2e: {  	s3 =	simm.s32 @!p0 $0x1082;
	s9 =	sld [smem:$0x3FB1]  }
0x2f: {  	lr =	sadd.s32 s0, s3;
	s0 =	sld [smem:$0x3FA8]  }
0x30: {  	s3 =	sld [smem:$0x3FAB]  }
0x31: {  	[smem:$0x3FB4] =	sst s10  }
0x32: {  	s10 =	sld [smem:$0x3FB2];
	_ =	sdelay $0x3  }
0x33: {  	p0 =	seq.s32 s10, $0x1;
	s10 =	sld [smem:$0x3FB4];
	_ =	sdelay $0x3  }
0x34: {  	[smem:$0x3FB4] =	sst s10  }
0x35: {  	s10 =	sld [smem:$0x3FB3];
	_ =	sdelay $0x3  }
0x36: {  	p1 =	seq.s32 s10, $0x1;
	s10 =	sld [smem:$0x3FB4];
	_ =	sdelay $0x3  }
0x37: {  	[smem:$0x3FB4] =	sst s10  }
0x38: {  	s10 =	sld [smem:$0x3FB5]  }
0x39: {  	_ = 	snop;
	(pc) =	sbr.ind lr, $3  }
0x3a: {  	_ = 	snop  }
0x3b: {  	_ = 	snop  }
0x3c: {  	p2 =	seq.s32 s10, $0x1;
	s10 =	sld [smem:$0x3FB4]  }
0x3d: {  	_ =	shalt  }
0x3e: {  	_ =	shalt  }
0x3f: {  	_ =	shalt  }
0x40: {  	_ =	shalt  }
0x41: {  	_ =	shalt  }
0x42: {  	_ =	shalt  }
0x43: {  	_ =	shalt  }
0x44: {  	_ =	shalt  }
0x45: {  	_ =	shalt  }
0x46: {  	_ =	shalt  }
0x47: {  	_ =	shalt  }
0x48: {  	_ =	shalt  }
0x49: {  	_ =	shalt  }
0x4a: {  	_ =	shalt  }
0x4b: {  	_ =	shalt  }
0x4c: {  	_ =	shalt  }
0x4d: {  	_ =	shalt  }
0x4e: {  	_ =	shalt  }
0x4f: {  	_ =	shalt  }
0x50: {  	_ =	shalt  }
0x51: {  	_ =	shalt  }
0x52: {  	_ =	shalt  }
0x53: {  	_ =	shalt  }
0x54: {  	_ =	shalt  }
0x55: {  	_ =	shalt  }
0x56: {  	_ =	shalt  }
0x57: {  	_ =	shalt  }
0x58: {  	_ =	shalt  }
0x59: {  	_ =	shalt  }
0x5a: {  	_ =	shalt  }
0x5b: {  	_ =	shalt  }
0x5c: {  	_ =	shalt  }
0x5d: {  	_ =	shalt  }
0x5e: {  	_ =	shalt  }
0x5f: {  	_ =	shalt  }
0x60: {  	_ =	shalt  }
0x61: {  	_ =	shalt  }
0x62: {  	_ =	shalt  }
0x63: {  	_ =	shalt  }
0x64: {  	_ =	shalt  }
0x65: {  	_ =	shalt  }
0x66: {  	_ =	shalt  }
0x67: {  	_ =	shalt  }
0x68: {  	_ =	shalt  }
0x69: {  	_ =	shalt  }
0x6a: {  	_ =	shalt  }
0x6b: {  	_ =	shalt  }
0x6c: {  	_ =	shalt  }
0x6d: {  	_ =	shalt  }
0x6e: {  	_ =	shalt  }
0x6f: {  	_ =	shalt  }
0x70: {  	_ =	shalt  }
0x71: {  	_ =	shalt  }
0x72: {  	_ =	shalt  }
0x73: {  	_ =	shalt  }
0x74: {  	_ =	shalt  }
0x75: {  	_ =	shalt  }
0x76: {  	_ =	shalt  }
0x77: {  	_ =	shalt  }
0x78: {  	_ =	shalt  }
0x79: {  	_ =	shalt  }
0x7a: {  	_ =	shalt  }
0x7b: {  	_ =	shalt  }
0x7c: {  	_ =	shalt  }
0x7d: {  	_ =	shalt  }
0x7e: {  	_ =	shalt  }
0x7f: {  	_ =	shalt  }
0x80: {  	_ =	shalt  }
0x81: {  	_ =	shalt  }
0x82: {  	_ =	shalt  }
0x83: {  	_ =	shalt  }
0x84: {  	_ =	shalt  }
0x85: {  	_ =	shalt  }
0x86: {  	_ =	shalt  }
0x87: {  	_ =	shalt  }
.Lfunc_end0:
.L_simem_size_0:
called_computation.1_lowered:
.L_overlay_start_0:
0x88: {  	s2 =	sld [smem:$0x3FD9]  }
0x89: {  	s3 =	sld [smem:$0x3FFE];
	_ =	sdelay $0x1  }
0x8a: {  	s1 =	srdreg.scid  }
0x8b: {  	s0 =	sand.u32 $0x1, s1  }
0x8c: {  	s16 =	sshll.u32 s0, $0xA;
	s2 =	sadd.s32 s3, s2  }
0x8d: {  	s2 =	sadd.s32 s2, s16  }
0x8e: {  	[smem:$0x3FC0] =	sst s2  }
0x8f: {  	_ = 	snop  }
0x90: {  	(tm) =	ssettm $0x1  }
0x91: {  	s17 =	sld [smem:$0x3FFB];
	_ =	sdelay $0x3  }
0x92: {  	_ =	strace s17  }
0x93: {  	s2 =	sld [smem:$0x3FFC];
	_ =	sdelay $0x3  }
0x94: {  	_ =	strace s2  }
0x95: {  	s2 =	sld [smem:$0x3FFD];
	_ =	sdelay $0x3  }
0x96: {  	_ =	strace s2  }
0x97: {  	_ =	strace $0x8FFFFFFF  }
0x98: {  	s18 =	sld [smem:$0x3FDB];
	_ =	sdelay $0x1  }
0x99: {  	s19 =	simm.s32 $_scs_section_size  }
0x9a: {  	s4 =	simm.s32 $_size__tile_overlayer_lowered;
	s5 =	simm.s32 $_tile_overlayer_lowered  }
0x9b: {  	s22 =	simm.s32 $0x1BFF;
	s21 =	sshll.u32 s5, $0x1;
	s2 =	sadd.s32 s19, s18  }
0x9c: {  	s6 =	simm.s32 $0x0;
	s20 =	sshll.u32 s4, $0x1;
	s4 =	sadd.s32 s21, s2  }
0x9d: {  	[timem:s6], [sflag:s22] =	dma.local [hbm:s4], s20  }
0x9e: {  	_ =	swait.ge [sflag:s22], s20  }
0x9f: {  	s3 =	ssub.s32 $0x0, s20;
	[sflag:s22] =	ssyncset.done $0x0  }
0xa0: {  	[sflag:s22] =	ssyncadd.s32 s3;
	_ =	sdelay $0x1  }
0xa1: {  	s23 =	simm.s32 $0x1B8B  }
0xa2: {  	_ =	swait.ge [sflag:s23], $0x1  }
0xa3: {  	[sflag:s23] =	ssyncset.done $0x0  }
0xa4: {  	s25 =	simm.s32 $0x1B8E;
	s24 =	sld [smem:$0x3FFE];
	[sflag:s23] =	ssyncadd.s32 $0xFFFFFFFF  }
0xa5: {  	s26 =	simm.s32 $execute0_lowered;
	[smem:$0x3FD2] =	sst s25  }
0xa6: {  	s4 =	sshll.u32 s26, $0x1;
	_ =	strace $0x80000049;
	[dreg:$0x1] =	wrdreg $0xFFFFFFFF  }
0xa7: {  	s28 =	simm.s32 $_size_execute0_lowered;
	s2 =	sadd.s32 s2, s4;
	[dreg:$0x0] =	wrdreg $0x0  }
0xa8: {  	s4 =	sshll.u32 s28, $0x1;
	[dreg:$0x2] =	wrdreg s2  }
0xa9: {  	[dreg:$0x3] =	wrdreg s4  }
0xaa: {  	[dreg:$0x4] =	wrdreg $0xC0  }
0xab: {  	_ =	task [dreg:s6], $0x5FFFF  }
0xac: {  	[dreg:$0x1] =	wrdreg $0xFFFFFFFF  }
0xad: {  	[dreg:$0x0] =	wrdreg $0x60  }
0xae: {  	[dreg:$0x2] =	wrdreg s24  }
0xaf: {  	[dreg:$0x3] =	wrdreg $0x9  }
0xb0: {  	_ =	task.clear_ibuf [dreg:s6], $0x4FFFF;
	_ =	strace $0x90000049  }
0xb1: {  	s29 =	simm.s32 $0x9;
	_ =	strace $0x8000004B  }
0xb2: {  	_ =	swait.ge [sflag:s29], $0x1  }
0xb3: {  	[sflag:s29] =	ssyncadd.s32 $0xFFFFFFFF  }
0xb4: {  	_ =	strace $0x9000004B  }
0xb5: {  	_ =	sfence  }
0xb6: {  	s30 =	sld [smem:$0x0];
	_ =	sdelay $0x2  }
0xb7: {  	s31 =	sshll.u32 s1, $0xD;
	s1 =	sshrl.u32 s1, $0x2  }
0xb8: {  	s3 =	sand.u32 $0x4000, s31;
	s1 =	sadd.s32 s1, s30  }
0xb9: {  	s0 =	sor.u32 s3, s0;
	s1 =	sshll.u32 s1, $0x11  }
0xba: {  	s0 =	sor.u32 s1, s0  }
0xbb: {  	s0 =	sadd.s32 $0x8F2B, s0  }
0xbc: {  	[sflag:s0] =	ssyncadd.remote.s32 $0x1  }
0xbd: {  	_ =	sfence.sel $0xFFFF  }
0xbe: {  	[dreg:$0x0] =	wrdreg $0xFFFFFFFF;
	(pc) =	sbr.abs _section_cstart, $3  }
0xbf: {  	[dreg:$0x1] =	wrdreg $0xFFFFFFFF  }
0xc0: {  	_ =	task.clear_ibuf [dreg:s6], $0x2FFFF;
	_ =	strace $0x9FFFFFFF  }
0xc1: {  	(tm) =	ssettm $0x7FFFFFFF  }
tec
execute0_lowered:
.L_overlay_start_1:
0x0: {  	(tag) =	ssettag $0x1  }
0x1: {  	s0 =	rddreg [dreg:$0x0];
	s1 =	srdreg.scid  }
0x2: {  	s2 =	simm.s32 $0x0;
	s4 =	stileid.u32;
	s18 =	simm.s32 $0x1  }
0x3: {  	s20 =	simm.s32 $0x880;
	s21 =	simm.s32 $0x1080;
	s22 =	simm.s32 $0x1880  }
0x4: {  	s23 =	simm.s32 $0x2080;
	s28 =	simm.s32 $0x4080;
	s29 =	simm.s32 $0x4880  }
0x5: {  	s30 =	simm.s32 $0x5080;
	s31 =	simm.s32 $0x5880;
	s11 =	simm.s32 $0x7880  }
0x6: {  	s12 =	simm.s32 $0x8080;
	s13 =	simm.s32 $0x8880;
	s14 =	simm.s32 $0x9080  }
0x7: {  	s15 =	simm.s32 $0x9880;
	s16 =	simm.s32 $0xA080;
	s17 =	simm.s32 $0xA880  }
0x8: {  	s1 =	sand.u32 $0x1, s1;
	[smem:$0x7FF] =	sst s2;
	s4 =	sshll.u32 s4, $0x7  }
0x9: {  	s6 =	sadd.s32 $0x102E00, s0;
	s8 =	sadd.s32 $0x2C00, s0;
	s3 =	sshll.u32 s1, $0xB  }
0xa: {  	_ =	strace $0x8000004A;
	s1 =	ssub.s32 $0x2, s1;
	s5 =	sor.u32 s4, s3  }
0xb: {  	s3 =	sadd.s32 $0x103000, s0;
	s7 =	sshrl.u32 s1, $0x1;
	s4 =	sshrl.u32 s5, $0x3  }
0xc: {  	s1 =	ssub.s32 s1, s7;
	s24 =	sshll.u32 s5, $0x7;
	s9 =	sor.u32 $0x40, s5  }
0xd: {  	s5 =	sadd.s32 $0x103200, s0;
	s4 =	sadd.s32 s6, s4;
	s7 =	sadd.s32 s8, s24  }
0xe: {  	s10 =	sshrl.u32 s9, $0x3;
	s9 =	sshll.u32 s9, $0x7;
	[dreg:$0x2] =	wrdreg s4  }
0xf: {  	s24 =	simm.s32 $0x2880;
	s4 =	sadd.s32 $0x103100, s0;
	[dreg:$0x3] =	wrdreg s7  }
0x10: {  	s25 =	sadd.s32 s6, s10;
	s6 =	sadd.s32 $0x103300, s0;
	s26 =	sadd.s32 s8, s9  }
0x11: {  	v2 =	vlaneseq.u32;
	s7 =	smax.u32 s1, $0x1;
	s8 =	simm.s32 $0x2;
	s0 =	simm.s32 $0x80  }
0x12: {  	vm0 =	vmmov $0xffff;
	v1 =	vshrl.u32 v2, $0x3;
	s10 =	simm.s32 $0x7080;
	s9 =	simm.s32 $0xB080;
	[dreg:$0x4] =	wrdreg s25  }
0x13: {  	v0 =	vand.u32 $0x7, v2;
	v2 =	vor.u32 $0x8, v2;
	v1 =	vmul.u32 $0x8, v1;
	[dreg:$0x5] =	wrdreg s26;
	s25 =	simm.s32 $0x3080;
	s26 =	simm.s32 $0x3880  }
.LBB2_1:
0x14: {  	s19 =	rddreg [dreg:$0x2]  }
0x15: {  	[tilespmem:s2], [sflag:$0x2] =	stream.linear.gather [hbm4b:s19+s2], $0x40, $0x38;
	[tilespmem:$0x10080] =	vst v63  }
0x16: {  	_ =	swait.ge [sflag:s8], $0x40  }
0x17: {  	[sflag:s8] =	ssyncset.done $0x0  }
0x18: {  	[sflag:s8] =	ssyncadd.s32 $0xFFFFFFC0  }
0x19: {  	v3 =	vld [tilespmem:$0x0];
	_ =	sdelay $0x4  }
0x1a: {  	v4 =	vshll.u32 v3, $0x3  }
0x1b: {  	v3 =	vand.u32 $0x7, v3;
	v4 =	vand.u32 $0xFFFFFFC0, v4  }
0x1c: {  	v3 =	vor.u32 v3, v4  }
0x1d: {  	v4 =	vperm.xlane v3, v0;
	_ =	sdelay $0x1  }
0x1e: {  	v4 =	vadd.s32 v1, v4;
	_ =	sdelay $0x4  }
0x1f: {  	[tilespmem:s0], [sflag:$0x1] =	stream.indirect_vreg.gather [hbm4b:s3+s2], $0x80, v4, vm0, $0xb8;
	[tilespmem:$0x10080] =	vst v63  }
0x20: {  	v3 =	vperm.xlane v3, v2  }
0x21: {  	[tilespmem:s20], [sflag:$0x1] =	stream.indirect_vreg.gather [hbm4b:s4+s2], $0x80, v4, vm0, $0xb8;
	[tilespmem:$0x10080] =	vst v63  }
0x22: {  	v3 =	vadd.s32 v1, v3  }
0x23: {  	[tilespmem:s21], [sflag:$0x1] =	stream.indirect_vreg.gather [hbm4b:s5+s2], $0x80, v4, vm0, $0xb8;
	[tilespmem:$0x10080] =	vst v63  }
0x24: {  	_ = 	snop  }
0x25: {  	[tilespmem:s22], [sflag:$0x1] =	stream.indirect_vreg.gather [hbm4b:s6+s2], $0x80, v4, vm0, $0xb8;
	[tilespmem:$0x10080] =	vst v63  }
0x26: {  	_ = 	snop  }
0x27: {  	[tilespmem:s23], [sflag:$0x1] =	stream.indirect_vreg.gather [hbm4b:s3+s2], $0x80, v3, vm0, $0xb8;
	[tilespmem:$0x10080] =	vst v63  }
0x28: {  	_ = 	snop  }
0x29: {  	[tilespmem:s24], [sflag:$0x1] =	stream.indirect_vreg.gather [hbm4b:s4+s2], $0x80, v3, vm0, $0xb8;
	[tilespmem:$0x10080] =	vst v63  }
0x2a: {  	_ = 	snop  }
0x2b: {  	[tilespmem:s25], [sflag:$0x1] =	stream.indirect_vreg.gather [hbm4b:s5+s2], $0x80, v3, vm0, $0xb8;
	[tilespmem:$0x10080] =	vst v63  }
0x2c: {  	_ = 	snop  }
0x2d: {  	[tilespmem:s26], [sflag:$0x1] =	stream.indirect_vreg.gather [hbm4b:s6+s2], $0x80, v3, vm0, $0xb8;
	[tilespmem:$0x10080] =	vst v63  }
0x2e: {  	v3 =	vld [tilespmem:$0x10];
	_ =	sdelay $0x4  }
0x2f: {  	v57 =	vshll.u32 v3, $0x3  }
0x30: {  	v3 =	vand.u32 $0x7, v3;
	v4 =	vand.u32 $0xFFFFFFC0, v57  }
0x31: {  	v3 =	vor.u32 v3, v4  }
0x32: {  	v4 =	vperm.xlane v3, v0;
	_ =	sdelay $0x1  }
0x33: {  	v4 =	vadd.s32 v1, v4;
	_ =	sdelay $0x4  }
0x34: {  	[tilespmem:s28], [sflag:$0x1] =	stream.indirect_vreg.gather [hbm4b:s3+s2], $0x80, v4, vm0, $0xb8;
	[tilespmem:$0x10080] =	vst v63  }
0x35: {  	v3 =	vperm.xlane v3, v2  }
0x36: {  	[tilespmem:s29], [sflag:$0x1] =	stream.indirect_vreg.gather [hbm4b:s4+s2], $0x80, v4, vm0, $0xb8;
	[tilespmem:$0x10080] =	vst v63  }
0x37: {  	v3 =	vadd.s32 v1, v3  }
0x38: {  	[tilespmem:s30], [sflag:$0x1] =	stream.indirect_vreg.gather [hbm4b:s5+s2], $0x80, v4, vm0, $0xb8;
	[tilespmem:$0x10080] =	vst v63  }
0x39: {  	_ = 	snop  }
0x3a: {  	[tilespmem:s31], [sflag:$0x1] =	stream.indirect_vreg.gather [hbm4b:s6+s2], $0x80, v4, vm0, $0xb8;
	[tilespmem:$0x10080] =	vst v63  }
0x3b: {  	s1 =	simm.s32 $0x6080  }
0x3c: {  	[tilespmem:s1], [sflag:$0x1] =	stream.indirect_vreg.gather [hbm4b:s3+s2], $0x80, v3, vm0, $0xb8;
	[tilespmem:$0x10080] =	vst v63  }
0x3d: {  	s1 =	simm.s32 $0x6880  }
0x3e: {  	[tilespmem:s1], [sflag:$0x1] =	stream.indirect_vreg.gather [hbm4b:s4+s2], $0x80, v3, vm0, $0xb8;
	[tilespmem:$0x10080] =	vst v63  }
0x3f: {  	_ = 	snop  }
0x40: {  	[tilespmem:s10], [sflag:$0x1] =	stream.indirect_vreg.gather [hbm4b:s5+s2], $0x80, v3, vm0, $0xb8;
	[tilespmem:$0x10080] =	vst v63  }
0x41: {  	_ = 	snop  }
0x42: {  	[tilespmem:s11], [sflag:$0x1] =	stream.indirect_vreg.gather [hbm4b:s6+s2], $0x80, v3, vm0, $0xb8;
	[tilespmem:$0x10080] =	vst v63  }
0x43: {  	v3 =	vld [tilespmem:$0x20];
	_ =	sdelay $0x4  }
0x44: {  	v58 =	vshll.u32 v3, $0x3  }
0x45: {  	v3 =	vand.u32 $0x7, v3;
	v4 =	vand.u32 $0xFFFFFFC0, v58  }
0x46: {  	v3 =	vor.u32 v3, v4  }
0x47: {  	v4 =	vperm.xlane v3, v0;
	_ =	sdelay $0x1  }
0x48: {  	v4 =	vadd.s32 v1, v4;
	_ =	sdelay $0x4  }
0x49: {  	[tilespmem:s12], [sflag:$0x1] =	stream.indirect_vreg.gather [hbm4b:s3+s2], $0x80, v4, vm0, $0xb8;
	[tilespmem:$0x10080] =	vst v63  }
0x4a: {  	v3 =	vperm.xlane v3, v2  }
0x4b: {  	[tilespmem:s13], [sflag:$0x1] =	stream.indirect_vreg.gather [hbm4b:s4+s2], $0x80, v4, vm0, $0xb8;
	[tilespmem:$0x10080] =	vst v63  }
0x4c: {  	v3 =	vadd.s32 v1, v3  }
0x4d: {  	[tilespmem:s14], [sflag:$0x1] =	stream.indirect_vreg.gather [hbm4b:s5+s2], $0x80, v4, vm0, $0xb8;
	[tilespmem:$0x10080] =	vst v63  }
0x4e: {  	_ = 	snop  }
0x4f: {  	[tilespmem:s15], [sflag:$0x1] =	stream.indirect_vreg.gather [hbm4b:s6+s2], $0x80, v4, vm0, $0xb8;
	[tilespmem:$0x10080] =	vst v63  }
0x50: {  	_ = 	snop  }
0x51: {  	[tilespmem:s16], [sflag:$0x1] =	stream.indirect_vreg.gather [hbm4b:s3+s2], $0x80, v3, vm0, $0xb8;
	[tilespmem:$0x10080] =	vst v63  }
0x52: {  	_ = 	snop  }
0x53: {  	[tilespmem:s17], [sflag:$0x1] =	stream.indirect_vreg.gather [hbm4b:s4+s2], $0x80, v3, vm0, $0xb8;
	[tilespmem:$0x10080] =	vst v63  }
0x54: {  	_ = 	snop  }
0x55: {  	[tilespmem:s9], [sflag:$0x1] =	stream.indirect_vreg.gather [hbm4b:s5+s2], $0x80, v3, vm0, $0xb8;
	[tilespmem:$0x10080] =	vst v63  }
0x56: {  	s19 =	simm.s32 $0xB880  }
0x57: {  	[tilespmem:s19], [sflag:$0x1] =	stream.indirect_vreg.gather [hbm4b:s6+s2], $0x80, v3, vm0, $0xb8;
	[tilespmem:$0x10080] =	vst v63  }
0x58: {  	v3 =	vld [tilespmem:$0x30];
	_ =	sdelay $0x4  }
0x59: {  	v59 =	vshll.u32 v3, $0x3  }
0x5a: {  	v3 =	vand.u32 $0x7, v3;
	v4 =	vand.u32 $0xFFFFFFC0, v59  }
0x5b: {  	v3 =	vor.u32 v3, v4  }
0x5c: {  	v4 =	vperm.xlane v3, v0;
	_ =	sdelay $0x1  }
0x5d: {  	v4 =	vadd.s32 v1, v4;
	_ =	sdelay $0x3  }
0x5e: {  	s19 =	simm.s32 $0xC080  }
0x5f: {  	[tilespmem:s19], [sflag:$0x1] =	stream.indirect_vreg.gather [hbm4b:s3+s2], $0x80, v4, vm0, $0xb8;
	[tilespmem:$0x10080] =	vst v63  }
0x60: {  	v3 =	vperm.xlane v3, v2;
	s19 =	simm.s32 $0xC880  }
0x61: {  	[tilespmem:s19], [sflag:$0x1] =	stream.indirect_vreg.gather [hbm4b:s4+s2], $0x80, v4, vm0, $0xb8;
	[tilespmem:$0x10080] =	vst v63  }
0x62: {  	v3 =	vadd.s32 v1, v3;
	s19 =	simm.s32 $0xD080  }
0x63: {  	[tilespmem:s19], [sflag:$0x1] =	stream.indirect_vreg.gather [hbm4b:s5+s2], $0x80, v4, vm0, $0xb8;
	[tilespmem:$0x10080] =	vst v63  }
0x64: {  	s19 =	simm.s32 $0xD880  }
0x65: {  	[tilespmem:s19], [sflag:$0x1] =	stream.indirect_vreg.gather [hbm4b:s6+s2], $0x80, v4, vm0, $0xb8;
	[tilespmem:$0x10080] =	vst v63  }
0x66: {  	s19 =	simm.s32 $0xE080  }
0x67: {  	[tilespmem:s19], [sflag:$0x1] =	stream.indirect_vreg.gather [hbm4b:s3+s2], $0x80, v3, vm0, $0xb8;
	[tilespmem:$0x10080] =	vst v63  }
0x68: {  	s19 =	simm.s32 $0xE880  }
0x69: {  	[tilespmem:s19], [sflag:$0x1] =	stream.indirect_vreg.gather [hbm4b:s4+s2], $0x80, v3, vm0, $0xb8;
	[tilespmem:$0x10080] =	vst v63  }
0x6a: {  	s19 =	simm.s32 $0xF080  }
0x6b: {  	[tilespmem:s19], [sflag:$0x1] =	stream.indirect_vreg.gather [hbm4b:s5+s2], $0x80, v3, vm0, $0xb8;
	[tilespmem:$0x10080] =	vst v63  }
0x6c: {  	s19 =	simm.s32 $0xF880  }
0x6d: {  	[tilespmem:s19], [sflag:$0x1] =	stream.indirect_vreg.gather [hbm4b:s6+s2], $0x80, v3, vm0, $0xb8;
	[tilespmem:$0x10080] =	vst v63  }
0x6e: {  	_ =	swait.ge [sflag:s18], $0x10000  }
0x6f: {  	[sflag:s18] =	ssyncset.done $0x0  }
0x70: {  	s19 =	rddreg [dreg:$0x3];
	[sflag:s18] =	ssyncadd.s32 $0xFFFF0000  }
0x71: {  	[hbm4b:s19+s2] =	stream.linear.scatter [tilespmem:s0], [sflag:$0x2], $0x10000, $0x38;
	[tilespmem:$0x10080] =	vst v63  }
0x72: {  	_ =	swait.ge [sflag:s8], $0x10000  }
0x73: {  	[sflag:s8] =	ssyncset.done $0x0  }
0x74: {  	s19 =	rddreg [dreg:$0x4];
	[sflag:s8] =	ssyncadd.s32 $0xFFFF0000  }
0x75: {  	[tilespmem:s2], [sflag:$0x2] =	stream.linear.gather [hbm4b:s19+s2], $0x40, $0x38;
	[tilespmem:$0x10080] =	vst v63  }
0x76: {  	_ =	swait.ge [sflag:s8], $0x40  }
0x77: {  	[sflag:s8] =	ssyncset.done $0x0  }
0x78: {  	[sflag:s8] =	ssyncadd.s32 $0xFFFFFFC0  }
0x79: {  	v3 =	vld [tilespmem:$0x0];
	_ =	sdelay $0x4  }
0x7a: {  	v60 =	vshll.u32 v3, $0x3  }
0x7b: {  	v3 =	vand.u32 $0x7, v3;
	v4 =	vand.u32 $0xFFFFFFC0, v60  }
0x7c: {  	v3 =	vor.u32 v3, v4  }
0x7d: {  	v4 =	vperm.xlane v3, v0;
	_ =	sdelay $0x1  }
0x7e: {  	v4 =	vadd.s32 v1, v4;
	_ =	sdelay $0x4  }
0x7f: {  	[tilespmem:s0], [sflag:$0x1] =	stream.indirect_vreg.gather [hbm4b:s3+s2], $0x80, v4, vm0, $0xb8;
	[tilespmem:$0x10080] =	vst v63  }
0x80: {  	v3 =	vperm.xlane v3, v2  }
0x81: {  	[tilespmem:s20], [sflag:$0x1] =	stream.indirect_vreg.gather [hbm4b:s4+s2], $0x80, v4, vm0, $0xb8;
	[tilespmem:$0x10080] =	vst v63  }
0x82: {  	v3 =	vadd.s32 v1, v3  }
0x83: {  	[tilespmem:s21], [sflag:$0x1] =	stream.indirect_vreg.gather [hbm4b:s5+s2], $0x80, v4, vm0, $0xb8;
	[tilespmem:$0x10080] =	vst v63  }
0x84: {  	_ = 	snop  }
0x85: {  	[tilespmem:s22], [sflag:$0x1] =	stream.indirect_vreg.gather [hbm4b:s6+s2], $0x80, v4, vm0, $0xb8;
	[tilespmem:$0x10080] =	vst v63  }
0x86: {  	_ = 	snop  }
0x87: {  	[tilespmem:s23], [sflag:$0x1] =	stream.indirect_vreg.gather [hbm4b:s3+s2], $0x80, v3, vm0, $0xb8;
	[tilespmem:$0x10080] =	vst v63  }
0x88: {  	_ = 	snop  }
0x89: {  	[tilespmem:s24], [sflag:$0x1] =	stream.indirect_vreg.gather [hbm4b:s4+s2], $0x80, v3, vm0, $0xb8;
	[tilespmem:$0x10080] =	vst v63  }
0x8a: {  	_ = 	snop  }
0x8b: {  	[tilespmem:s25], [sflag:$0x1] =	stream.indirect_vreg.gather [hbm4b:s5+s2], $0x80, v3, vm0, $0xb8;
	[tilespmem:$0x10080] =	vst v63  }
0x8c: {  	_ = 	snop  }
0x8d: {  	[tilespmem:s26], [sflag:$0x1] =	stream.indirect_vreg.gather [hbm4b:s6+s2], $0x80, v3, vm0, $0xb8;
	[tilespmem:$0x10080] =	vst v63  }
0x8e: {  	v3 =	vld [tilespmem:$0x10];
	_ =	sdelay $0x4  }
0x8f: {  	v61 =	vshll.u32 v3, $0x3  }
0x90: {  	v3 =	vand.u32 $0x7, v3;
	v4 =	vand.u32 $0xFFFFFFC0, v61  }
0x91: {  	v3 =	vor.u32 v3, v4  }
0x92: {  	v4 =	vperm.xlane v3, v0;
	_ =	sdelay $0x1  }
0x93: {  	v4 =	vadd.s32 v1, v4;
	_ =	sdelay $0x4  }
0x94: {  	[tilespmem:s28], [sflag:$0x1] =	stream.indirect_vreg.gather [hbm4b:s3+s2], $0x80, v4, vm0, $0xb8;
	[tilespmem:$0x10080] =	vst v63  }
0x95: {  	v3 =	vperm.xlane v3, v2  }
0x96: {  	[tilespmem:s29], [sflag:$0x1] =	stream.indirect_vreg.gather [hbm4b:s4+s2], $0x80, v4, vm0, $0xb8;
	[tilespmem:$0x10080] =	vst v63  }
0x97: {  	v3 =	vadd.s32 v1, v3  }
0x98: {  	[tilespmem:s30], [sflag:$0x1] =	stream.indirect_vreg.gather [hbm4b:s5+s2], $0x80, v4, vm0, $0xb8;
	[tilespmem:$0x10080] =	vst v63  }
0x99: {  	_ = 	snop  }
0x9a: {  	[tilespmem:s31], [sflag:$0x1] =	stream.indirect_vreg.gather [hbm4b:s6+s2], $0x80, v4, vm0, $0xb8;
	[tilespmem:$0x10080] =	vst v63  }
0x9b: {  	s19 =	simm.s32 $0x6080  }
0x9c: {  	[tilespmem:s19], [sflag:$0x1] =	stream.indirect_vreg.gather [hbm4b:s3+s2], $0x80, v3, vm0, $0xb8;
	[tilespmem:$0x10080] =	vst v63  }
0x9d: {  	_ = 	snop  }
0x9e: {  	[tilespmem:s1], [sflag:$0x1] =	stream.indirect_vreg.gather [hbm4b:s4+s2], $0x80, v3, vm0, $0xb8;
	[tilespmem:$0x10080] =	vst v63  }
0x9f: {  	_ = 	snop  }
0xa0: {  	[tilespmem:s10], [sflag:$0x1] =	stream.indirect_vreg.gather [hbm4b:s5+s2], $0x80, v3, vm0, $0xb8;
	[tilespmem:$0x10080] =	vst v63  }
0xa1: {  	_ = 	snop  }
0xa2: {  	[tilespmem:s11], [sflag:$0x1] =	stream.indirect_vreg.gather [hbm4b:s6+s2], $0x80, v3, vm0, $0xb8;
	[tilespmem:$0x10080] =	vst v63  }
0xa3: {  	v3 =	vld [tilespmem:$0x20];
	_ =	sdelay $0x4  }
0xa4: {  	v62 =	vshll.u32 v3, $0x3  }
0xa5: {  	v3 =	vand.u32 $0x7, v3;
	v4 =	vand.u32 $0xFFFFFFC0, v62  }
0xa6: {  	v3 =	vor.u32 v3, v4  }
0xa7: {  	v4 =	vperm.xlane v3, v0;
	_ =	sdelay $0x1  }
0xa8: {  	v4 =	vadd.s32 v1, v4;
	_ =	sdelay $0x4  }
0xa9: {  	[tilespmem:s12], [sflag:$0x1] =	stream.indirect_vreg.gather [hbm4b:s3+s2], $0x80, v4, vm0, $0xb8;
	[tilespmem:$0x10080] =	vst v63  }
0xaa: {  	v3 =	vperm.xlane v3, v2  }
0xab: {  	[tilespmem:s13], [sflag:$0x1] =	stream.indirect_vreg.gather [hbm4b:s4+s2], $0x80, v4, vm0, $0xb8;
	[tilespmem:$0x10080] =	vst v63  }
0xac: {  	v3 =	vadd.s32 v1, v3  }
0xad: {  	[tilespmem:s14], [sflag:$0x1] =	stream.indirect_vreg.gather [hbm4b:s5+s2], $0x80, v4, vm0, $0xb8;
	[tilespmem:$0x10080] =	vst v63  }
0xae: {  	_ = 	snop  }
0xaf: {  	[tilespmem:s15], [sflag:$0x1] =	stream.indirect_vreg.gather [hbm4b:s6+s2], $0x80, v4, vm0, $0xb8;
	[tilespmem:$0x10080] =	vst v63  }
0xb0: {  	_ = 	snop  }
0xb1: {  	[tilespmem:s16], [sflag:$0x1] =	stream.indirect_vreg.gather [hbm4b:s3+s2], $0x80, v3, vm0, $0xb8;
	[tilespmem:$0x10080] =	vst v63  }
0xb2: {  	_ = 	snop  }
0xb3: {  	[tilespmem:s17], [sflag:$0x1] =	stream.indirect_vreg.gather [hbm4b:s4+s2], $0x80, v3, vm0, $0xb8;
	[tilespmem:$0x10080] =	vst v63  }
0xb4: {  	_ = 	snop  }
0xb5: {  	[tilespmem:s9], [sflag:$0x1] =	stream.indirect_vreg.gather [hbm4b:s5+s2], $0x80, v3, vm0, $0xb8;
	[tilespmem:$0x10080] =	vst v63  }
0xb6: {  	s19 =	simm.s32 $0xB880  }
0xb7: {  	[tilespmem:s19], [sflag:$0x1] =	stream.indirect_vreg.gather [hbm4b:s6+s2], $0x80, v3, vm0, $0xb8;
	[tilespmem:$0x10080] =	vst v63  }
0xb8: {  	v3 =	vld [tilespmem:$0x30];
	_ =	sdelay $0x4  }
0xb9: {  	v63 =	vshll.u32 v3, $0x3  }
0xba: {  	v3 =	vand.u32 $0x7, v3;
	v4 =	vand.u32 $0xFFFFFFC0, v63  }
0xbb: {  	v3 =	vor.u32 v3, v4  }
0xbc: {  	v4 =	vperm.xlane v3, v0;
	_ =	sdelay $0x1  }
0xbd: {  	v4 =	vadd.s32 v1, v4;
	_ =	sdelay $0x3  }
0xbe: {  	s19 =	simm.s32 $0xC080  }
0xbf: {  	[tilespmem:s19], [sflag:$0x1] =	stream.indirect_vreg.gather [hbm4b:s3+s2], $0x80, v4, vm0, $0xb8;
	[tilespmem:$0x10080] =	vst v63  }
0xc0: {  	v3 =	vperm.xlane v3, v2;
	s19 =	simm.s32 $0xC880  }
0xc1: {  	[tilespmem:s19], [sflag:$0x1] =	stream.indirect_vreg.gather [hbm4b:s4+s2], $0x80, v4, vm0, $0xb8;
	[tilespmem:$0x10080] =	vst v63  }
0xc2: {  	v3 =	vadd.s32 v1, v3;
	s19 =	simm.s32 $0xD080  }
0xc3: {  	[tilespmem:s19], [sflag:$0x1] =	stream.indirect_vreg.gather [hbm4b:s5+s2], $0x80, v4, vm0, $0xb8;
	[tilespmem:$0x10080] =	vst v63  }
0xc4: {  	s19 =	simm.s32 $0xD880  }
0xc5: {  	[tilespmem:s19], [sflag:$0x1] =	stream.indirect_vreg.gather [hbm4b:s6+s2], $0x80, v4, vm0, $0xb8;
	[tilespmem:$0x10080] =	vst v63  }
0xc6: {  	s19 =	simm.s32 $0xE080  }
0xc7: {  	[tilespmem:s19], [sflag:$0x1] =	stream.indirect_vreg.gather [hbm4b:s3+s2], $0x80, v3, vm0, $0xb8;
	[tilespmem:$0x10080] =	vst v63  }
0xc8: {  	s19 =	simm.s32 $0xE880  }
0xc9: {  	[tilespmem:s19], [sflag:$0x1] =	stream.indirect_vreg.gather [hbm4b:s4+s2], $0x80, v3, vm0, $0xb8;
	[tilespmem:$0x10080] =	vst v63  }
0xca: {  	s19 =	simm.s32 $0xF080  }
0xcb: {  	[tilespmem:s19], [sflag:$0x1] =	stream.indirect_vreg.gather [hbm4b:s5+s2], $0x80, v3, vm0, $0xb8;
	[tilespmem:$0x10080] =	vst v63  }
0xcc: {  	s19 =	simm.s32 $0xF880  }
0xcd: {  	[tilespmem:s19], [sflag:$0x1] =	stream.indirect_vreg.gather [hbm4b:s6+s2], $0x80, v3, vm0, $0xb8;
	[tilespmem:$0x10080] =	vst v63  }
0xce: {  	_ =	swait.ge [sflag:s18], $0x10000  }
0xcf: {  	p0 =	sne.s32 s7, $0x1;
	[sflag:s18] =	ssyncset.done $0x0  }
.Ltmp0:
0xd0: {  	s1 =	rddreg [dreg:$0x5];
	[sflag:s18] =	ssyncadd.s32 $0xFFFF0000;
	(pc) =	sbr.rel @p0 .LBB2_1-.Ltmp0, $4  }
0xd1: {  	[hbm4b:s1+s2] =	stream.linear.scatter [tilespmem:s0], [sflag:$0x2], $0x10000, $0x38;
	[tilespmem:$0x10080] =	vst v63  }
0xd2: {  	_ =	swait.ge [sflag:s8], $0x10000  }
0xd3: {  	[sflag:s8] =	ssyncset.done $0x0  }
0xd4: {  	s7 =	sadd.s32 $0xFFFFFFFF, s7;
	[sflag:s8] =	ssyncadd.s32 $0xFFFF0000  }
0xd5: {  	_ =	sfence.sel $0x180000  }
0xd6: {  	[bflag:$0x0] =	sbarrier.arrive $0xFFFF  }
0xd7: {  	_ =	strace $0x9000004A  }
0xd8: {  	s0 =	stileid.u32;
	[bflag:$0x2] =	sbarrier.arrive $0xFFFF  }
0xd9: {  	p0 =	sne.s32 s0, $0x0;
	s0 =	rddreg [dreg:$0x1]  }
0xda: {  	s0 =	sadd.s32 @!p0 $0x100000, s0  }
0xdb: {  	[sflag:s0] =	ssyncadd.tile.s32 @!p0 $0x1;
	_ =	shalt  }
.Lfunc_end2:
_tile_overlayer_lowered:
.L_overlay_start_2:
0xdc: {  	(tag) =	ssettag $0x2  }
0xdd: {  	s0 =	rddreg [dreg:$0x0];
	s2 =	stileid.u32  }
0xde: {  	s1 =	rddreg [dreg:$0x1];
	p0 =	sne.s32 s2, $0x0  }
0xdf: {  	s3 =	rddreg [dreg:$0x2];
	[bflag:$0x3] =	sbarrier.arrive $0xFFFF;
	s2 =	simm.s32 @!p0 $0x1C02  }
0xe0: {  	[timem:s3], [sflag:s2] =	dma.local @!p0 [hbm:s0], s1  }
0xe1: {  	s0 =	simm.s32 @!p0 $0x2  }
0xe2: {  	_ =	swait.ge @!p0 [sflag:s0], s1  }
0xe3: {  	s1 =	ssub.s32 @!p0 $0x0, s1;
	[sflag:s0] =	ssyncset.done @!p0 $0x0  }
0xe4: {  	[sflag:s0] =	ssyncadd.s32 @!p0 s1  }
0xe5: {  	[bflag:$0x3] =	sbarrier.arrive $0xFFFF  }
0xe6: {  	_ =	shalt  }

</sc_bundles>
